<compile_context>
chip_gen: v7x
topology: tpu7x:2x2x1
jax: 0.10.2.dev20260603
libtpu: 0.0.44.dev20260713+nightly
codegen_flags: <defaults>
</compile_context>

<pallas_src>
import functools

import jax
import jax.numpy as jnp
from jax import lax
from jax.experimental import pallas as pl
from jax.experimental.pallas import tpu as pltpu
from jax.experimental.pallas import tpu_sc as plsc

_LANES = 16
_PER_DMA = 128
_NDMA = 2
_F = _PER_DMA * _NDMA
_KV = _PER_DMA // _LANES


def _xlane(x, idx):
    dnums = lax.GatherDimensionNumbers(
        offset_dims=(), collapsed_slice_dims=(0,), start_index_map=(0,))
    return lax.gather(x, idx[:, None], dnums, (1,),
                      mode=lax.GatherScatterMode.PROMISE_IN_BOUNDS)


def _round_chunks(n):
    cs = []
    length = n
    while length >= _F:
        c = -(-length // _F)
        cs.append(c)
        length = c
    if not cs or cs[-1] != 1:
        cs.append(1)
    return cs


def _make_search(n):
    mesh = plsc.VectorSubcoreMesh(
        core_axis_name="c", subcore_axis_name="s", num_cores=1)

    @functools.partial(
        pl.kernel,
        mesh=mesh,
        out_type=jax.ShapeDtypeStruct((_LANES,), jnp.int32),
        scratch_types=(
            [pltpu.VMEM((_PER_DMA,), jnp.int32) for _ in range(_NDMA)] +
            [pltpu.VMEM((_PER_DMA,), jnp.int32) for _ in range(_NDMA)] +
            [pltpu.VMEM((_PER_DMA,), jnp.float32) for _ in range(_NDMA)] +
            [pltpu.VMEM((2 * _LANES,), jnp.float32),
             pltpu.VMEM((_LANES,), jnp.int32)]
            + [pltpu.SemaphoreType.DMA for _ in range(_NDMA)]
            + [pltpu.SemaphoreType.DMA,
               pltpu.SemaphoreType.DMA]
        ),
    )
    def body(seq_hbm, sorter_hbm, vr_hbm, out_hbm, *refs):
        qs = refs[0:_NDMA]
        ss = refs[_NDMA:2 * _NDMA]
        ts = refs[2 * _NDMA:3 * _NDMA]
        vr_v, res_v = refs[3 * _NDMA:3 * _NDMA + 2]
        ssems = refs[3 * _NDMA + 2:3 * _NDMA + 2 + _NDMA]
        tsem, csem = refs[3 * _NDMA + 2 + _NDMA:]
        wid = lax.axis_index("c") * 16 + lax.axis_index("s")

        @pl.when(wid == 0)
        def _():
            vr_copy = pltpu.async_copy(vr_hbm, vr_v, csem)
            lane = lax.iota(jnp.int32, _LANES)
            lov = jnp.zeros((_LANES,), jnp.int32)
            first = True
            for c in _round_chunks(n):
                clamp = not (first and _F * c == n)
                linear = c == 1 and n == _F ** 3 and n % 8 == 0
                if linear:
                    lo_s = jnp.minimum(lov, n - _F)[0]
                    s_cps = [pltpu.async_copy(
                        sorter_hbm.at[pl.ds(
                            pl.multiple_of(lo_s + d * _PER_DMA, _PER_DMA),
                            _PER_DMA)],
                        ss[d], ssems[d])
                             for d in range(_NDMA)]
                else:
                    for d in range(_NDMA):
                        for k in range(_KV):
                            g = d * _KV + k
                            q = lov + (lane + (g * _LANES + 1)) * c - 1
                            qs[d][pl.ds(k * _LANES, _LANES)] = (
                                jnp.minimum(q, n - 1) if clamp else q)
                    s_cps = [pltpu.async_copy(sorter_hbm.at[qs[d]], ss[d],
                                              ssems[d])
                             for d in range(_NDMA)]
                t_cps = []
                for d in range(_NDMA):
                    s_cps[d].wait()
                    t_cps.append(
                        pltpu.async_copy(seq_hbm.at[ss[d]], ts[d], tsem))
                for cp in t_cps:
                    cp.wait()
                if first:
                    vr_copy.wait()
                    first = False
                val = vr_v[pl.ds(0, _LANES)]
                is_right = vr_v[pl.ds(_LANES, _LANES)] != 0.0
                mvec = jnp.zeros((_LANES,), jnp.int32)
                for d in range(_NDMA):
                    for k in range(_KV):
                        g = d * _KV + k
                        q = lov + (lane + (g * _LANES + 1)) * c - 1
                        t = ts[d][pl.ds(k * _LANES, _LANES)]
                        below = jnp.logical_or(
                            t < val, jnp.logical_and(is_right, t == val))
                        ok = (jnp.logical_and(q <= n - 1, below)
                              if clamp else below)
                        mvec = mvec + jnp.where(ok, 1, 0)
                for sh in (1, 2, 4, 8):
                    perm = (lane + sh) & (_LANES - 1)
                    mvec = mvec + _xlane(mvec, perm)
                lov = lov + mvec * c
            res_v[...] = lov
            pltpu.sync_copy(res_v, out_hbm)

    return body


def kernel(sorted_sequence, x, out_int32, right, side, sorter, out):
    del out_int32, out
    seq = sorted_sequence
    n = seq.shape[0]
    v = jnp.asarray(x, dtype=jnp.float32)
    if side is not None:
        rflag = jnp.float32(1.0 if side == "right" else 0.0)
    else:
        rflag = jnp.asarray(right).astype(jnp.float32)
    vr = jnp.concatenate([jnp.full((_LANES,), v, dtype=jnp.float32),
                          jnp.full((_LANES,), rflag, dtype=jnp.float32)])
    res = _make_search(n)(seq.astype(jnp.float32),
                          sorter.astype(jnp.int32), vr)
    return res[0].astype(jnp.int32)

# --- scband reference (transcript-rebuilt; emitter-appended) ---
"""Pipeline reference for scband-torch-ops-aten-searchsorted-scalar-out-module-6511170421194 (READ-ONLY COPY).

The authoritative reference and input builder live on the scoring server;
editing this copy changes nothing except your own understanding.
"""

import jax, jax.numpy as jnp
import numpy as np

N = 16777216

def setup_inputs() -> dict:
    sorted_sequence = jnp.arange(N, dtype=jnp.float32)
    sorter = jnp.arange(N, dtype=jnp.int32)
    x = 8388608
    out_int32 = True
    right = True
    side = None
    out = jnp.zeros((1,), dtype=jnp.int32)
    return {
        "sorted_sequence": sorted_sequence,
        "x": x,
        "out_int32": out_int32,
        "right": right,
        "side": side,
        "sorter": sorter,
        "out": out,
    }

def reference(sorted_sequence, x, out_int32, right, side, sorter, out):
    # aten.searchsorted.Scalar_out: sorter gives the indices that sort
    # sorted_sequence; gather to obtain the sorted view, then binary search.
    seq = jnp.take(sorted_sequence, sorter, axis=0)
    v = jnp.asarray(x, dtype=seq.dtype)
    if side is not None:
        idx = jnp.searchsorted(seq, v, side=side)
    else:
        idx_right = jnp.searchsorted(seq, v, side='right')
        idx_left = jnp.searchsorted(seq, v, side='left')
        idx = jnp.where(right, idx_right, idx_left)
    idx32 = idx.astype(jnp.int32)
    return jnp.where(out_int32, idx32, idx32)

if __name__ == "__main__":
    import jax
    _d = setup_inputs()
    print(jax.jit(kernel)(*tuple(_d.values())))

</pallas_src>

<mosaic_0001>
#map = affine_map<(d0, d1) -> (0)>
module attributes {stable_mosaic.version = 14 : i64} {
  func.func @body(%arg0: i32, %arg1: i32, %arg2: memref<16777216xf32, #tpu.memory_space<hbm>>, %arg3: memref<16777216xi32, #tpu.memory_space<hbm>>, %arg4: memref<32xf32, #tpu.memory_space<hbm>>, %arg5: memref<16xi32, #tpu.memory_space<hbm>>, %arg6: memref<128xi32, #tpu.memory_space<vmem>>, %arg7: memref<128xi32, #tpu.memory_space<vmem>>, %arg8: memref<128xi32, #tpu.memory_space<vmem>>, %arg9: memref<128xi32, #tpu.memory_space<vmem>>, %arg10: memref<128xf32, #tpu.memory_space<vmem>>, %arg11: memref<128xf32, #tpu.memory_space<vmem>>, %arg12: memref<32xf32, #tpu.memory_space<vmem>>, %arg13: memref<16xi32, #tpu.memory_space<vmem>>, %arg14: memref<!tpu.dma_semaphore, #tpu.memory_space<semaphore_mem>>, %arg15: memref<!tpu.dma_semaphore, #tpu.memory_space<semaphore_mem>>, %arg16: memref<!tpu.dma_semaphore, #tpu.memory_space<semaphore_mem>>, %arg17: memref<!tpu.dma_semaphore, #tpu.memory_space<semaphore_mem>>) attributes {dimension_semantics = [#tpu.dimension_semantics<core_parallel>, #tpu.dimension_semantics<subcore_parallel>], iteration_bounds = array<i64: 1, 16>, scalar_prefetch = 0 : i64, scratch_operands = 12 : i64, tpu.core_type = #tpu.core_type<sc_vector_subcore>, window_params = [{transform_indices = #map}, {transform_indices = #map}, {transform_indices = #map}, {transform_indices = #map}]} {
    %mul3A = arith.constant 16 : i32
    %mul3A_0 = arith.muli %arg0, %mul3A : i32
    %add3A = arith.addi %mul3A_0, %arg1 : i32
    %eq3A = arith.constant 0 : i32
    %eq3A_1 = arith.cmpi eq, %add3A, %eq3A : i32
    %convert_element_type3A = arith.extui %eq3A_1 : i1 to i32
    %cond3A = arith.constant 0 : i32
    %cond3A_2 = arith.cmpi ne, %convert_element_type3A, %cond3A : i32
    scf.if %cond3A_2 {
      tpu.enqueue_dma source(%arg4 : memref<32xf32, #tpu.memory_space<hbm>>) target(%arg12 : memref<32xf32, #tpu.memory_space<vmem>>) target_semaphore(%arg17 : memref<!tpu.dma_semaphore, #tpu.memory_space<semaphore_mem>>)
      %iota3A = tpu.iota {dimensions = array<i32: 0>} : vector<16xi32>
      %broadcast_in_dim3A = arith.constant 0 : i32
      %broadcast_in_dim3A_3 = vector.broadcast %broadcast_in_dim3A : i32 to vector<16xi32>
      %add3A_4 = arith.constant 1 : i32
      %add3A_5 = vector.broadcast %add3A_4 : i32 to vector<16xi32>
      %add3A_6 = arith.addi %iota3A, %add3A_5 : vector<16xi32>
      %mul3A_7 = arith.constant 65536 : i32
      %mul3A_8 = vector.broadcast %mul3A_7 : i32 to vector<16xi32>
      %mul3A_9 = arith.muli %add3A_6, %mul3A_8 : vector<16xi32>
      %add3A_10 = arith.addi %broadcast_in_dim3A_3, %mul3A_9 : vector<16xi32>
      %sub3A = arith.constant 1 : i32
      %sub3A_11 = vector.broadcast %sub3A : i32 to vector<16xi32>
      %sub3A_12 = arith.subi %add3A_10, %sub3A_11 : vector<16xi32>
      %swap3A = arith.constant 0 : index
      %swap3A_13 = tpu.vector_load %arg6[%swap3A] {strides = array<i32>} : memref<128xi32, #tpu.memory_space<vmem>>, vector<16xi32>,
      %swap3A_14 = vector.shape_cast %swap3A_13 : vector<16xi32> to vector<16xi32>
      %swap3A_15 = vector.shape_cast %sub3A_12 : vector<16xi32> to vector<16xi32>
      tpu.vector_store %arg6[%swap3A], %swap3A_15 {strides = array<i32>} : memref<128xi32, #tpu.memory_space<vmem>>, vector<16xi32>,
      %add3A_16 = arith.constant 17 : i32
      %add3A_17 = vector.broadcast %add3A_16 : i32 to vector<16xi32>
      %add3A_18 = arith.addi %iota3A, %add3A_17 : vector<16xi32>
      %mul3A_19 = arith.constant 65536 : i32
      %mul3A_20 = vector.broadcast %mul3A_19 : i32 to vector<16xi32>
      %mul3A_21 = arith.muli %add3A_18, %mul3A_20 : vector<16xi32>
      %add3A_22 = arith.addi %broadcast_in_dim3A_3, %mul3A_21 : vector<16xi32>
      %sub3A_23 = arith.constant 1 : i32
      %sub3A_24 = vector.broadcast %sub3A_23 : i32 to vector<16xi32>
      %sub3A_25 = arith.subi %add3A_22, %sub3A_24 : vector<16xi32>
      %swap3A_26 = arith.constant 16 : index
      %swap3A_27 = tpu.vector_load %arg6[%swap3A_26] {strides = array<i32>} : memref<128xi32, #tpu.memory_space<vmem>>, vector<16xi32>,
      %swap3A_28 = vector.shape_cast %swap3A_27 : vector<16xi32> to vector<16xi32>
      %swap3A_29 = vector.shape_cast %sub3A_25 : vector<16xi32> to vector<16xi32>
      tpu.vector_store %arg6[%swap3A_26], %swap3A_29 {strides = array<i32>} : memref<128xi32, #tpu.memory_space<vmem>>, vector<16xi32>,
      %add3A_30 = arith.constant 33 : i32
      %add3A_31 = vector.broadcast %add3A_30 : i32 to vector<16xi32>
      %add3A_32 = arith.addi %iota3A, %add3A_31 : vector<16xi32>
      %mul3A_33 = arith.constant 65536 : i32
      %mul3A_34 = vector.broadcast %mul3A_33 : i32 to vector<16xi32>
      %mul3A_35 = arith.muli %add3A_32, %mul3A_34 : vector<16xi32>
      %add3A_36 = arith.addi %broadcast_in_dim3A_3, %mul3A_35 : vector<16xi32>
      %sub3A_37 = arith.constant 1 : i32
      %sub3A_38 = vector.broadcast %sub3A_37 : i32 to vector<16xi32>
      %sub3A_39 = arith.subi %add3A_36, %sub3A_38 : vector<16xi32>
      %swap3A_40 = arith.constant 32 : index
      %swap3A_41 = tpu.vector_load %arg6[%swap3A_40] {strides = array<i32>} : memref<128xi32, #tpu.memory_space<vmem>>, vector<16xi32>,
      %swap3A_42 = vector.shape_cast %swap3A_41 : vector<16xi32> to vector<16xi32>
      %swap3A_43 = vector.shape_cast %sub3A_39 : vector<16xi32> to vector<16xi32>
      tpu.vector_store %arg6[%swap3A_40], %swap3A_43 {strides = array<i32>} : memref<128xi32, #tpu.memory_space<vmem>>, vector<16xi32>,
      %add3A_44 = arith.constant 49 : i32
      %add3A_45 = vector.broadcast %add3A_44 : i32 to vector<16xi32>
      %add3A_46 = arith.addi %iota3A, %add3A_45 : vector<16xi32>
      %mul3A_47 = arith.constant 65536 : i32
      %mul3A_48 = vector.broadcast %mul3A_47 : i32 to vector<16xi32>
      %mul3A_49 = arith.muli %add3A_46, %mul3A_48 : vector<16xi32>
      %add3A_50 = arith.addi %broadcast_in_dim3A_3, %mul3A_49 : vector<16xi32>
      %sub3A_51 = arith.constant 1 : i32
      %sub3A_52 = vector.broadcast %sub3A_51 : i32 to vector<16xi32>
      %sub3A_53 = arith.subi %add3A_50, %sub3A_52 : vector<16xi32>
      %swap3A_54 = arith.constant 48 : index
      %swap3A_55 = tpu.vector_load %arg6[%swap3A_54] {strides = array<i32>} : memref<128xi32, #tpu.memory_space<vmem>>, vector<16xi32>,
      %swap3A_56 = vector.shape_cast %swap3A_55 : vector<16xi32> to vector<16xi32>
      %swap3A_57 = vector.shape_cast %sub3A_53 : vector<16xi32> to vector<16xi32>
      tpu.vector_store %arg6[%swap3A_54], %swap3A_57 {strides = array<i32>} : memref<128xi32, #tpu.memory_space<vmem>>, vector<16xi32>,
      %add3A_58 = arith.constant 65 : i32
      %add3A_59 = vector.broadcast %add3A_58 : i32 to vector<16xi32>
      %add3A_60 = arith.addi %iota3A, %add3A_59 : vector<16xi32>
      %mul3A_61 = arith.constant 65536 : i32
      %mul3A_62 = vector.broadcast %mul3A_61 : i32 to vector<16xi32>
      %mul3A_63 = arith.muli %add3A_60, %mul3A_62 : vector<16xi32>
      %add3A_64 = arith.addi %broadcast_in_dim3A_3, %mul3A_63 : vector<16xi32>
      %sub3A_65 = arith.constant 1 : i32
      %sub3A_66 = vector.broadcast %sub3A_65 : i32 to vector<16xi32>
      %sub3A_67 = arith.subi %add3A_64, %sub3A_66 : vector<16xi32>
      %swap3A_68 = arith.constant 64 : index
      %swap3A_69 = tpu.vector_load %arg6[%swap3A_68] {strides = array<i32>} : memref<128xi32, #tpu.memory_space<vmem>>, vector<16xi32>,
      %swap3A_70 = vector.shape_cast %swap3A_69 : vector<16xi32> to vector<16xi32>
      %swap3A_71 = vector.shape_cast %sub3A_67 : vector<16xi32> to vector<16xi32>
      tpu.vector_store %arg6[%swap3A_68], %swap3A_71 {strides = array<i32>} : memref<128xi32, #tpu.memory_space<vmem>>, vector<16xi32>,
      %add3A_72 = arith.constant 81 : i32
      %add3A_73 = vector.broadcast %add3A_72 : i32 to vector<16xi32>
      %add3A_74 = arith.addi %iota3A, %add3A_73 : vector<16xi32>
      %mul3A_75 = arith.constant 65536 : i32
      %mul3A_76 = vector.broadcast %mul3A_75 : i32 to vector<16xi32>
      %mul3A_77 = arith.muli %add3A_74, %mul3A_76 : vector<16xi32>
      %add3A_78 = arith.addi %broadcast_in_dim3A_3, %mul3A_77 : vector<16xi32>
      %sub3A_79 = arith.constant 1 : i32
      %sub3A_80 = vector.broadcast %sub3A_79 : i32 to vector<16xi32>
      %sub3A_81 = arith.subi %add3A_78, %sub3A_80 : vector<16xi32>
      %swap3A_82 = arith.constant 80 : index
      %swap3A_83 = tpu.vector_load %arg6[%swap3A_82] {strides = array<i32>} : memref<128xi32, #tpu.memory_space<vmem>>, vector<16xi32>,
      %swap3A_84 = vector.shape_cast %swap3A_83 : vector<16xi32> to vector<16xi32>
      %swap3A_85 = vector.shape_cast %sub3A_81 : vector<16xi32> to vector<16xi32>
      tpu.vector_store %arg6[%swap3A_82], %swap3A_85 {strides = array<i32>} : memref<128xi32, #tpu.memory_space<vmem>>, vector<16xi32>,
      %add3A_86 = arith.constant 97 : i32
      %add3A_87 = vector.broadcast %add3A_86 : i32 to vector<16xi32>
      %add3A_88 = arith.addi %iota3A, %add3A_87 : vector<16xi32>
      %mul3A_89 = arith.constant 65536 : i32
      %mul3A_90 = vector.broadcast %mul3A_89 : i32 to vector<16xi32>
      %mul3A_91 = arith.muli %add3A_88, %mul3A_90 : vector<16xi32>
      %add3A_92 = arith.addi %broadcast_in_dim3A_3, %mul3A_91 : vector<16xi32>
      %sub3A_93 = arith.constant 1 : i32
      %sub3A_94 = vector.broadcast %sub3A_93 : i32 to vector<16xi32>
      %sub3A_95 = arith.subi %add3A_92, %sub3A_94 : vector<16xi32>
      %swap3A_96 = arith.constant 96 : index
      %swap3A_97 = tpu.vector_load %arg6[%swap3A_96] {strides = array<i32>} : memref<128xi32, #tpu.memory_space<vmem>>, vector<16xi32>,
      %swap3A_98 = vector.shape_cast %swap3A_97 : vector<16xi32> to vector<16xi32>
      %swap3A_99 = vector.shape_cast %sub3A_95 : vector<16xi32> to vector<16xi32>
      tpu.vector_store %arg6[%swap3A_96], %swap3A_99 {strides = array<i32>} : memref<128xi32, #tpu.memory_space<vmem>>, vector<16xi32>,
      %add3A_100 = arith.constant 113 : i32
      %add3A_101 = vector.broadcast %add3A_100 : i32 to vector<16xi32>
      %add3A_102 = arith.addi %iota3A, %add3A_101 : vector<16xi32>
      %mul3A_103 = arith.constant 65536 : i32
      %mul3A_104 = vector.broadcast %mul3A_103 : i32 to vector<16xi32>
      %mul3A_105 = arith.muli %add3A_102, %mul3A_104 : vector<16xi32>
      %add3A_106 = arith.addi %broadcast_in_dim3A_3, %mul3A_105 : vector<16xi32>
      %sub3A_107 = arith.constant 1 : i32
      %sub3A_108 = vector.broadcast %sub3A_107 : i32 to vector<16xi32>
      %sub3A_109 = arith.subi %add3A_106, %sub3A_108 : vector<16xi32>
      %swap3A_110 = arith.constant 112 : index
      %swap3A_111 = tpu.vector_load %arg6[%swap3A_110] {strides = array<i32>} : memref<128xi32, #tpu.memory_space<vmem>>, vector<16xi32>,
      %swap3A_112 = vector.shape_cast %swap3A_111 : vector<16xi32> to vector<16xi32>
      %swap3A_113 = vector.shape_cast %sub3A_109 : vector<16xi32> to vector<16xi32>
      tpu.vector_store %arg6[%swap3A_110], %swap3A_113 {strides = array<i32>} : memref<128xi32, #tpu.memory_space<vmem>>, vector<16xi32>,
      %add3A_114 = arith.constant 129 : i32
      %add3A_115 = vector.broadcast %add3A_114 : i32 to vector<16xi32>
      %add3A_116 = arith.addi %iota3A, %add3A_115 : vector<16xi32>
      %mul3A_117 = arith.constant 65536 : i32
      %mul3A_118 = vector.broadcast %mul3A_117 : i32 to vector<16xi32>
      %mul3A_119 = arith.muli %add3A_116, %mul3A_118 : vector<16xi32>
      %add3A_120 = arith.addi %broadcast_in_dim3A_3, %mul3A_119 : vector<16xi32>
      %sub3A_121 = arith.constant 1 : i32
      %sub3A_122 = vector.broadcast %sub3A_121 : i32 to vector<16xi32>
      %sub3A_123 = arith.subi %add3A_120, %sub3A_122 : vector<16xi32>
      %swap3A_124 = arith.constant 0 : index
      %swap3A_125 = tpu.vector_load %arg7[%swap3A_124] {strides = array<i32>} : memref<128xi32, #tpu.memory_space<vmem>>, vector<16xi32>,
      %swap3A_126 = vector.shape_cast %swap3A_125 : vector<16xi32> to vector<16xi32>
      %swap3A_127 = vector.shape_cast %sub3A_123 : vector<16xi32> to vector<16xi32>
      tpu.vector_store %arg7[%swap3A_124], %swap3A_127 {strides = array<i32>} : memref<128xi32, #tpu.memory_space<vmem>>, vector<16xi32>,
      %add3A_128 = arith.constant 145 : i32
      %add3A_129 = vector.broadcast %add3A_128 : i32 to vector<16xi32>
      %add3A_130 = arith.addi %iota3A, %add3A_129 : vector<16xi32>
      %mul3A_131 = arith.constant 65536 : i32
      %mul3A_132 = vector.broadcast %mul3A_131 : i32 to vector<16xi32>
      %mul3A_133 = arith.muli %add3A_130, %mul3A_132 : vector<16xi32>
      %add3A_134 = arith.addi %broadcast_in_dim3A_3, %mul3A_133 : vector<16xi32>
      %sub3A_135 = arith.constant 1 : i32
      %sub3A_136 = vector.broadcast %sub3A_135 : i32 to vector<16xi32>
      %sub3A_137 = arith.subi %add3A_134, %sub3A_136 : vector<16xi32>
      %swap3A_138 = arith.constant 16 : index
      %swap3A_139 = tpu.vector_load %arg7[%swap3A_138] {strides = array<i32>} : memref<128xi32, #tpu.memory_space<vmem>>, vector<16xi32>,
      %swap3A_140 = vector.shape_cast %swap3A_139 : vector<16xi32> to vector<16xi32>
      %swap3A_141 = vector.shape_cast %sub3A_137 : vector<16xi32> to vector<16xi32>
      tpu.vector_store %arg7[%swap3A_138], %swap3A_141 {strides = array<i32>} : memref<128xi32, #tpu.memory_space<vmem>>, vector<16xi32>,
      %add3A_142 = arith.constant 161 : i32
      %add3A_143 = vector.broadcast %add3A_142 : i32 to vector<16xi32>
      %add3A_144 = arith.addi %iota3A, %add3A_143 : vector<16xi32>
      %mul3A_145 = arith.constant 65536 : i32
      %mul3A_146 = vector.broadcast %mul3A_145 : i32 to vector<16xi32>
      %mul3A_147 = arith.muli %add3A_144, %mul3A_146 : vector<16xi32>
      %add3A_148 = arith.addi %broadcast_in_dim3A_3, %mul3A_147 : vector<16xi32>
      %sub3A_149 = arith.constant 1 : i32
      %sub3A_150 = vector.broadcast %sub3A_149 : i32 to vector<16xi32>
      %sub3A_151 = arith.subi %add3A_148, %sub3A_150 : vector<16xi32>
      %swap3A_152 = arith.constant 32 : index
      %swap3A_153 = tpu.vector_load %arg7[%swap3A_152] {strides = array<i32>} : memref<128xi32, #tpu.memory_space<vmem>>, vector<16xi32>,
      %swap3A_154 = vector.shape_cast %swap3A_153 : vector<16xi32> to vector<16xi32>
      %swap3A_155 = vector.shape_cast %sub3A_151 : vector<16xi32> to vector<16xi32>
      tpu.vector_store %arg7[%swap3A_152], %swap3A_155 {strides = array<i32>} : memref<128xi32, #tpu.memory_space<vmem>>, vector<16xi32>,
      %add3A_156 = arith.constant 177 : i32
      %add3A_157 = vector.broadcast %add3A_156 : i32 to vector<16xi32>
      %add3A_158 = arith.addi %iota3A, %add3A_157 : vector<16xi32>
      %mul3A_159 = arith.constant 65536 : i32
      %mul3A_160 = vector.broadcast %mul3A_159 : i32 to vector<16xi32>
      %mul3A_161 = arith.muli %add3A_158, %mul3A_160 : vector<16xi32>
      %add3A_162 = arith.addi %broadcast_in_dim3A_3, %mul3A_161 : vector<16xi32>
      %sub3A_163 = arith.constant 1 : i32
      %sub3A_164 = vector.broadcast %sub3A_163 : i32 to vector<16xi32>
      %sub3A_165 = arith.subi %add3A_162, %sub3A_164 : vector<16xi32>
      %swap3A_166 = arith.constant 48 : index
      %swap3A_167 = tpu.vector_load %arg7[%swap3A_166] {strides = array<i32>} : memref<128xi32, #tpu.memory_space<vmem>>, vector<16xi32>,
      %swap3A_168 = vector.shape_cast %swap3A_167 : vector<16xi32> to vector<16xi32>
      %swap3A_169 = vector.shape_cast %sub3A_165 : vector<16xi32> to vector<16xi32>
      tpu.vector_store %arg7[%swap3A_166], %swap3A_169 {strides = array<i32>} : memref<128xi32, #tpu.memory_space<vmem>>, vector<16xi32>,
      %add3A_170 = arith.constant 193 : i32
      %add3A_171 = vector.broadcast %add3A_170 : i32 to vector<16xi32>
      %add3A_172 = arith.addi %iota3A, %add3A_171 : vector<16xi32>
      %mul3A_173 = arith.constant 65536 : i32
      %mul3A_174 = vector.broadcast %mul3A_173 : i32 to vector<16xi32>
      %mul3A_175 = arith.muli %add3A_172, %mul3A_174 : vector<16xi32>
      %add3A_176 = arith.addi %broadcast_in_dim3A_3, %mul3A_175 : vector<16xi32>
      %sub3A_177 = arith.constant 1 : i32
      %sub3A_178 = vector.broadcast %sub3A_177 : i32 to vector<16xi32>
      %sub3A_179 = arith.subi %add3A_176, %sub3A_178 : vector<16xi32>
      %swap3A_180 = arith.constant 64 : index
      %swap3A_181 = tpu.vector_load %arg7[%swap3A_180] {strides = array<i32>} : memref<128xi32, #tpu.memory_space<vmem>>, vector<16xi32>,
      %swap3A_182 = vector.shape_cast %swap3A_181 : vector<16xi32> to vector<16xi32>
      %swap3A_183 = vector.shape_cast %sub3A_179 : vector<16xi32> to vector<16xi32>
      tpu.vector_store %arg7[%swap3A_180], %swap3A_183 {strides = array<i32>} : memref<128xi32, #tpu.memory_space<vmem>>, vector<16xi32>,
      %add3A_184 = arith.constant 209 : i32
      %add3A_185 = vector.broadcast %add3A_184 : i32 to vector<16xi32>
      %add3A_186 = arith.addi %iota3A, %add3A_185 : vector<16xi32>
      %mul3A_187 = arith.constant 65536 : i32
      %mul3A_188 = vector.broadcast %mul3A_187 : i32 to vector<16xi32>
      %mul3A_189 = arith.muli %add3A_186, %mul3A_188 : vector<16xi32>
      %add3A_190 = arith.addi %broadcast_in_dim3A_3, %mul3A_189 : vector<16xi32>
      %sub3A_191 = arith.constant 1 : i32
      %sub3A_192 = vector.broadcast %sub3A_191 : i32 to vector<16xi32>
      %sub3A_193 = arith.subi %add3A_190, %sub3A_192 : vector<16xi32>
      %swap3A_194 = arith.constant 80 : index
      %swap3A_195 = tpu.vector_load %arg7[%swap3A_194] {strides = array<i32>} : memref<128xi32, #tpu.memory_space<vmem>>, vector<16xi32>,
      %swap3A_196 = vector.shape_cast %swap3A_195 : vector<16xi32> to vector<16xi32>
      %swap3A_197 = vector.shape_cast %sub3A_193 : vector<16xi32> to vector<16xi32>
      tpu.vector_store %arg7[%swap3A_194], %swap3A_197 {strides = array<i32>} : memref<128xi32, #tpu.memory_space<vmem>>, vector<16xi32>,
      %add3A_198 = arith.constant 225 : i32
      %add3A_199 = vector.broadcast %add3A_198 : i32 to vector<16xi32>
      %add3A_200 = arith.addi %iota3A, %add3A_199 : vector<16xi32>
      %mul3A_201 = arith.constant 65536 : i32
      %mul3A_202 = vector.broadcast %mul3A_201 : i32 to vector<16xi32>
      %mul3A_203 = arith.muli %add3A_200, %mul3A_202 : vector<16xi32>
      %add3A_204 = arith.addi %broadcast_in_dim3A_3, %mul3A_203 : vector<16xi32>
      %sub3A_205 = arith.constant 1 : i32
      %sub3A_206 = vector.broadcast %sub3A_205 : i32 to vector<16xi32>
      %sub3A_207 = arith.subi %add3A_204, %sub3A_206 : vector<16xi32>
      %swap3A_208 = arith.constant 96 : index
      %swap3A_209 = tpu.vector_load %arg7[%swap3A_208] {strides = array<i32>} : memref<128xi32, #tpu.memory_space<vmem>>, vector<16xi32>,
      %swap3A_210 = vector.shape_cast %swap3A_209 : vector<16xi32> to vector<16xi32>
      %swap3A_211 = vector.shape_cast %sub3A_207 : vector<16xi32> to vector<16xi32>
      tpu.vector_store %arg7[%swap3A_208], %swap3A_211 {strides = array<i32>} : memref<128xi32, #tpu.memory_space<vmem>>, vector<16xi32>,
      %add3A_212 = arith.constant 241 : i32
      %add3A_213 = vector.broadcast %add3A_212 : i32 to vector<16xi32>
      %add3A_214 = arith.addi %iota3A, %add3A_213 : vector<16xi32>
      %mul3A_215 = arith.constant 65536 : i32
      %mul3A_216 = vector.broadcast %mul3A_215 : i32 to vector<16xi32>
      %mul3A_217 = arith.muli %add3A_214, %mul3A_216 : vector<16xi32>
      %add3A_218 = arith.addi %broadcast_in_dim3A_3, %mul3A_217 : vector<16xi32>
      %sub3A_219 = arith.constant 1 : i32
      %sub3A_220 = vector.broadcast %sub3A_219 : i32 to vector<16xi32>
      %sub3A_221 = arith.subi %add3A_218, %sub3A_220 : vector<16xi32>
      %swap3A_222 = arith.constant 112 : index
      %swap3A_223 = tpu.vector_load %arg7[%swap3A_222] {strides = array<i32>} : memref<128xi32, #tpu.memory_space<vmem>>, vector<16xi32>,
      %swap3A_224 = vector.shape_cast %swap3A_223 : vector<16xi32> to vector<16xi32>
      %swap3A_225 = vector.shape_cast %sub3A_221 : vector<16xi32> to vector<16xi32>
      tpu.vector_store %arg7[%swap3A_222], %swap3A_225 {strides = array<i32>} : memref<128xi32, #tpu.memory_space<vmem>>, vector<16xi32>,
      %dma_start3A = arith.constant 0 : i32
      %dma_start3A_226 = tpu.memref_slice %arg3[%dma_start3A] : memref<16777216xi32, #tpu.memory_space<hbm>> -> memref<16777216xi32, #tpu.memory_space<hbm>>
      tpu.enqueue_indirect_dma source(%dma_start3A_226 : memref<16777216xi32, #tpu.memory_space<hbm>>) target(%arg8 : memref<128xi32, #tpu.memory_space<vmem>>) offsets(%arg6 : memref<128xi32, #tpu.memory_space<vmem>>) semaphore(%arg14 : memref<!tpu.dma_semaphore, #tpu.memory_space<semaphore_mem>>)
      %dma_start3A_227 = arith.constant 0 : i32
      %dma_start3A_228 = tpu.memref_slice %arg3[%dma_start3A_227] : memref<16777216xi32, #tpu.memory_space<hbm>> -> memref<16777216xi32, #tpu.memory_space<hbm>>
      tpu.enqueue_indirect_dma source(%dma_start3A_228 : memref<16777216xi32, #tpu.memory_space<hbm>>) target(%arg9 : memref<128xi32, #tpu.memory_space<vmem>>) offsets(%arg7 : memref<128xi32, #tpu.memory_space<vmem>>) semaphore(%arg15 : memref<!tpu.dma_semaphore, #tpu.memory_space<semaphore_mem>>)
      %dma_wait3A = arith.constant 0 : i32
      %dma_wait3A_229 = tpu.memref_slice %arg3[%dma_wait3A] : memref<16777216xi32, #tpu.memory_space<hbm>> -> memref<16777216xi32, #tpu.memory_space<hbm>>
      tpu.wait_indirect_dma semaphore(%arg14 : memref<!tpu.dma_semaphore, #tpu.memory_space<semaphore_mem>>) src(%dma_wait3A_229 : memref<16777216xi32, #tpu.memory_space<hbm>>) dst(%arg8 : memref<128xi32, #tpu.memory_space<vmem>>)
      %dma_start3A_230 = arith.constant 0 : i32
      %dma_start3A_231 = tpu.memref_slice %arg2[%dma_start3A_230] : memref<16777216xf32, #tpu.memory_space<hbm>> -> memref<16777216xf32, #tpu.memory_space<hbm>>
      tpu.enqueue_indirect_dma source(%dma_start3A_231 : memref<16777216xf32, #tpu.memory_space<hbm>>) target(%arg10 : memref<128xf32, #tpu.memory_space<vmem>>) offsets(%arg8 : memref<128xi32, #tpu.memory_space<vmem>>) semaphore(%arg16 : memref<!tpu.dma_semaphore, #tpu.memory_space<semaphore_mem>>)
      %dma_wait3A_232 = arith.constant 0 : i32
      %dma_wait3A_233 = tpu.memref_slice %arg3[%dma_wait3A_232] : memref<16777216xi32, #tpu.memory_space<hbm>> -> memref<16777216xi32, #tpu.memory_space<hbm>>
      tpu.wait_indirect_dma semaphore(%arg15 : memref<!tpu.dma_semaphore, #tpu.memory_space<semaphore_mem>>) src(%dma_wait3A_233 : memref<16777216xi32, #tpu.memory_space<hbm>>) dst(%arg9 : memref<128xi32, #tpu.memory_space<vmem>>)
      %dma_start3A_234 = arith.constant 0 : i32
      %dma_start3A_235 = tpu.memref_slice %arg2[%dma_start3A_234] : memref<16777216xf32, #tpu.memory_space<hbm>> -> memref<16777216xf32, #tpu.memory_space<hbm>>
      tpu.enqueue_indirect_dma source(%dma_start3A_235 : memref<16777216xf32, #tpu.memory_space<hbm>>) target(%arg11 : memref<128xf32, #tpu.memory_space<vmem>>) offsets(%arg9 : memref<128xi32, #tpu.memory_space<vmem>>) semaphore(%arg16 : memref<!tpu.dma_semaphore, #tpu.memory_space<semaphore_mem>>)
      %dma_wait3A_236 = arith.constant 0 : i32
      %dma_wait3A_237 = tpu.memref_slice %arg2[%dma_wait3A_236] : memref<16777216xf32, #tpu.memory_space<hbm>> -> memref<16777216xf32, #tpu.memory_space<hbm>>
      tpu.wait_indirect_dma semaphore(%arg16 : memref<!tpu.dma_semaphore, #tpu.memory_space<semaphore_mem>>) src(%dma_wait3A_237 : memref<16777216xf32, #tpu.memory_space<hbm>>) dst(%arg10 : memref<128xf32, #tpu.memory_space<vmem>>)
      %dma_wait3A_238 = arith.constant 0 : i32
      %dma_wait3A_239 = tpu.memref_slice %arg2[%dma_wait3A_238] : memref<16777216xf32, #tpu.memory_space<hbm>> -> memref<16777216xf32, #tpu.memory_space<hbm>>
      tpu.wait_indirect_dma semaphore(%arg16 : memref<!tpu.dma_semaphore, #tpu.memory_space<semaphore_mem>>) src(%dma_wait3A_239 : memref<16777216xf32, #tpu.memory_space<hbm>>) dst(%arg11 : memref<128xf32, #tpu.memory_space<vmem>>)
      tpu.wait_dma2 semaphore(%arg17 : memref<!tpu.dma_semaphore, #tpu.memory_space<semaphore_mem>>) src(%arg4 : memref<32xf32, #tpu.memory_space<hbm>>) dst(%arg12 : memref<32xf32, #tpu.memory_space<vmem>>)
      %get3A = arith.constant 0 : index
      %get3A_240 = tpu.vector_load %arg12[%get3A] {strides = array<i32>} : memref<32xf32, #tpu.memory_space<vmem>>, vector<16xf32>,
      %get3A_241 = vector.shape_cast %get3A_240 : vector<16xf32> to vector<16xf32>
      %get3A_242 = arith.constant 16 : index
      %get3A_243 = tpu.vector_load %arg12[%get3A_242] {strides = array<i32>} : memref<32xf32, #tpu.memory_space<vmem>>, vector<16xf32>,
      %get3A_244 = vector.shape_cast %get3A_243 : vector<16xf32> to vector<16xf32>
      %ne3A = arith.constant 0.000000e+00 : f32
      %ne3A_245 = vector.broadcast %ne3A : f32 to vector<16xf32>
      %ne3A_246 = arith.cmpf one, %get3A_244, %ne3A_245 : vector<16xf32>
      %broadcast_in_dim3A_247 = arith.constant 0 : i32
      %broadcast_in_dim3A_248 = vector.broadcast %broadcast_in_dim3A_247 : i32 to vector<16xi32>
      %add3A_249 = arith.constant 1 : i32
      %add3A_250 = vector.broadcast %add3A_249 : i32 to vector<16xi32>
      %add3A_251 = arith.addi %iota3A, %add3A_250 : vector<16xi32>
      %mul3A_252 = arith.constant 65536 : i32
      %mul3A_253 = vector.broadcast %mul3A_252 : i32 to vector<16xi32>
      %mul3A_254 = arith.muli %add3A_251, %mul3A_253 : vector<16xi32>
      %add3A_255 = arith.addi %broadcast_in_dim3A_3, %mul3A_254 : vector<16xi32>
      %sub3A_256 = arith.constant 1 : i32
      %sub3A_257 = vector.broadcast %sub3A_256 : i32 to vector<16xi32>
      %sub3A_258 = arith.subi %add3A_255, %sub3A_257 : vector<16xi32>
      %get3A_259 = arith.constant 0 : index
      %get3A_260 = tpu.vector_load %arg10[%get3A_259] {strides = array<i32>} : memref<128xf32, #tpu.memory_space<vmem>>, vector<16xf32>,
      %get3A_261 = vector.shape_cast %get3A_260 : vector<16xf32> to vector<16xf32>
      %lt3A = arith.cmpf olt, %get3A_261, %get3A_241 : vector<16xf32>
      %eq3A_262 = arith.cmpf oeq, %get3A_261, %get3A_241 : vector<16xf32>
      %and3A = arith.andi %ne3A_246, %eq3A_262 : vector<16xi1>
      %or3A = arith.ori %lt3A, %and3A : vector<16xi1>
      %jit3A = arith.constant 1 : i32
      %jit3A_263 = arith.constant 0 : i32
      %broadcast_in_dim3A_264 = vector.broadcast %jit3A : i32 to vector<16xi32>
      %broadcast_in_dim3A_265 = vector.broadcast %jit3A_263 : i32 to vector<16xi32>
      %select_n3A = arith.select %or3A, %broadcast_in_dim3A_264, %broadcast_in_dim3A_265 : vector<16xi1>, vector<16xi32>
      %add3A_266 = arith.addi %broadcast_in_dim3A_248, %select_n3A : vector<16xi32>
      %add3A_267 = arith.constant 17 : i32
      %add3A_268 = vector.broadcast %add3A_267 : i32 to vector<16xi32>
      %add3A_269 = arith.addi %iota3A, %add3A_268 : vector<16xi32>
      %mul3A_270 = arith.constant 65536 : i32
      %mul3A_271 = vector.broadcast %mul3A_270 : i32 to vector<16xi32>
      %mul3A_272 = arith.muli %add3A_269, %mul3A_271 : vector<16xi32>
      %add3A_273 = arith.addi %broadcast_in_dim3A_3, %mul3A_272 : vector<16xi32>
      %sub3A_274 = arith.constant 1 : i32
      %sub3A_275 = vector.broadcast %sub3A_274 : i32 to vector<16xi32>
      %sub3A_276 = arith.subi %add3A_273, %sub3A_275 : vector<16xi32>
      %get3A_277 = arith.constant 16 : index
      %get3A_278 = tpu.vector_load %arg10[%get3A_277] {strides = array<i32>} : memref<128xf32, #tpu.memory_space<vmem>>, vector<16xf32>,
      %get3A_279 = vector.shape_cast %get3A_278 : vector<16xf32> to vector<16xf32>
      %lt3A_280 = arith.cmpf olt, %get3A_279, %get3A_241 : vector<16xf32>
      %eq3A_281 = arith.cmpf oeq, %get3A_279, %get3A_241 : vector<16xf32>
      %and3A_282 = arith.andi %ne3A_246, %eq3A_281 : vector<16xi1>
      %or3A_283 = arith.ori %lt3A_280, %and3A_282 : vector<16xi1>
      %jit3A_284 = arith.constant 1 : i32
      %jit3A_285 = arith.constant 0 : i32
      %broadcast_in_dim3A_286 = vector.broadcast %jit3A_284 : i32 to vector<16xi32>
      %broadcast_in_dim3A_287 = vector.broadcast %jit3A_285 : i32 to vector<16xi32>
      %select_n3A_288 = arith.select %or3A_283, %broadcast_in_dim3A_286, %broadcast_in_dim3A_287 : vector<16xi1>, vector<16xi32>
      %add3A_289 = arith.addi %add3A_266, %select_n3A_288 : vector<16xi32>
      %add3A_290 = arith.constant 33 : i32
      %add3A_291 = vector.broadcast %add3A_290 : i32 to vector<16xi32>
      %add3A_292 = arith.addi %iota3A, %add3A_291 : vector<16xi32>
      %mul3A_293 = arith.constant 65536 : i32
      %mul3A_294 = vector.broadcast %mul3A_293 : i32 to vector<16xi32>
      %mul3A_295 = arith.muli %add3A_292, %mul3A_294 : vector<16xi32>
      %add3A_296 = arith.addi %broadcast_in_dim3A_3, %mul3A_295 : vector<16xi32>
      %sub3A_297 = arith.constant 1 : i32
      %sub3A_298 = vector.broadcast %sub3A_297 : i32 to vector<16xi32>
      %sub3A_299 = arith.subi %add3A_296, %sub3A_298 : vector<16xi32>
      %get3A_300 = arith.constant 32 : index
      %get3A_301 = tpu.vector_load %arg10[%get3A_300] {strides = array<i32>} : memref<128xf32, #tpu.memory_space<vmem>>, vector<16xf32>,
      %get3A_302 = vector.shape_cast %get3A_301 : vector<16xf32> to vector<16xf32>
      %lt3A_303 = arith.cmpf olt, %get3A_302, %get3A_241 : vector<16xf32>
      %eq3A_304 = arith.cmpf oeq, %get3A_302, %get3A_241 : vector<16xf32>
      %and3A_305 = arith.andi %ne3A_246, %eq3A_304 : vector<16xi1>
      %or3A_306 = arith.ori %lt3A_303, %and3A_305 : vector<16xi1>
      %jit3A_307 = arith.constant 1 : i32
      %jit3A_308 = arith.constant 0 : i32
      %broadcast_in_dim3A_309 = vector.broadcast %jit3A_307 : i32 to vector<16xi32>
      %broadcast_in_dim3A_310 = vector.broadcast %jit3A_308 : i32 to vector<16xi32>
      %select_n3A_311 = arith.select %or3A_306, %broadcast_in_dim3A_309, %broadcast_in_dim3A_310 : vector<16xi1>, vector<16xi32>
      %add3A_312 = arith.addi %add3A_289, %select_n3A_311 : vector<16xi32>
      %add3A_313 = arith.constant 49 : i32
      %add3A_314 = vector.broadcast %add3A_313 : i32 to vector<16xi32>
      %add3A_315 = arith.addi %iota3A, %add3A_314 : vector<16xi32>
      %mul3A_316 = arith.constant 65536 : i32
      %mul3A_317 = vector.broadcast %mul3A_316 : i32 to vector<16xi32>
      %mul3A_318 = arith.muli %add3A_315, %mul3A_317 : vector<16xi32>
      %add3A_319 = arith.addi %broadcast_in_dim3A_3, %mul3A_318 : vector<16xi32>
      %sub3A_320 = arith.constant 1 : i32
      %sub3A_321 = vector.broadcast %sub3A_320 : i32 to vector<16xi32>
      %sub3A_322 = arith.subi %add3A_319, %sub3A_321 : vector<16xi32>
      %get3A_323 = arith.constant 48 : index
      %get3A_324 = tpu.vector_load %arg10[%get3A_323] {strides = array<i32>} : memref<128xf32, #tpu.memory_space<vmem>>, vector<16xf32>,
      %get3A_325 = vector.shape_cast %get3A_324 : vector<16xf32> to vector<16xf32>
      %lt3A_326 = arith.cmpf olt, %get3A_325, %get3A_241 : vector<16xf32>
      %eq3A_327 = arith.cmpf oeq, %get3A_325, %get3A_241 : vector<16xf32>
      %and3A_328 = arith.andi %ne3A_246, %eq3A_327 : vector<16xi1>
      %or3A_329 = arith.ori %lt3A_326, %and3A_328 : vector<16xi1>
      %jit3A_330 = arith.constant 1 : i32
      %jit3A_331 = arith.constant 0 : i32
      %broadcast_in_dim3A_332 = vector.broadcast %jit3A_330 : i32 to vector<16xi32>
      %broadcast_in_dim3A_333 = vector.broadcast %jit3A_331 : i32 to vector<16xi32>
      %select_n3A_334 = arith.select %or3A_329, %broadcast_in_dim3A_332, %broadcast_in_dim3A_333 : vector<16xi1>, vector<16xi32>
      %add3A_335 = arith.addi %add3A_312, %select_n3A_334 : vector<16xi32>
      %add3A_336 = arith.constant 65 : i32
      %add3A_337 = vector.broadcast %add3A_336 : i32 to vector<16xi32>
      %add3A_338 = arith.addi %iota3A, %add3A_337 : vector<16xi32>
      %mul3A_339 = arith.constant 65536 : i32
      %mul3A_340 = vector.broadcast %mul3A_339 : i32 to vector<16xi32>
      %mul3A_341 = arith.muli %add3A_338, %mul3A_340 : vector<16xi32>
      %add3A_342 = arith.addi %broadcast_in_dim3A_3, %mul3A_341 : vector<16xi32>
      %sub3A_343 = arith.constant 1 : i32
      %sub3A_344 = vector.broadcast %sub3A_343 : i32 to vector<16xi32>
      %sub3A_345 = arith.subi %add3A_342, %sub3A_344 : vector<16xi32>
      %get3A_346 = arith.constant 64 : index
      %get3A_347 = tpu.vector_load %arg10[%get3A_346] {strides = array<i32>} : memref<128xf32, #tpu.memory_space<vmem>>, vector<16xf32>,
      %get3A_348 = vector.shape_cast %get3A_347 : vector<16xf32> to vector<16xf32>
      %lt3A_349 = arith.cmpf olt, %get3A_348, %get3A_241 : vector<16xf32>
      %eq3A_350 = arith.cmpf oeq, %get3A_348, %get3A_241 : vector<16xf32>
      %and3A_351 = arith.andi %ne3A_246, %eq3A_350 : vector<16xi1>
      %or3A_352 = arith.ori %lt3A_349, %and3A_351 : vector<16xi1>
      %jit3A_353 = arith.constant 1 : i32
      %jit3A_354 = arith.constant 0 : i32
      %broadcast_in_dim3A_355 = vector.broadcast %jit3A_353 : i32 to vector<16xi32>
      %broadcast_in_dim3A_356 = vector.broadcast %jit3A_354 : i32 to vector<16xi32>
      %select_n3A_357 = arith.select %or3A_352, %broadcast_in_dim3A_355, %broadcast_in_dim3A_356 : vector<16xi1>, vector<16xi32>
      %add3A_358 = arith.addi %add3A_335, %select_n3A_357 : vector<16xi32>
      %add3A_359 = arith.constant 81 : i32
      %add3A_360 = vector.broadcast %add3A_359 : i32 to vector<16xi32>
      %add3A_361 = arith.addi %iota3A, %add3A_360 : vector<16xi32>
      %mul3A_362 = arith.constant 65536 : i32
      %mul3A_363 = vector.broadcast %mul3A_362 : i32 to vector<16xi32>
      %mul3A_364 = arith.muli %add3A_361, %mul3A_363 : vector<16xi32>
      %add3A_365 = arith.addi %broadcast_in_dim3A_3, %mul3A_364 : vector<16xi32>
      %sub3A_366 = arith.constant 1 : i32
      %sub3A_367 = vector.broadcast %sub3A_366 : i32 to vector<16xi32>
      %sub3A_368 = arith.subi %add3A_365, %sub3A_367 : vector<16xi32>
      %get3A_369 = arith.constant 80 : index
      %get3A_370 = tpu.vector_load %arg10[%get3A_369] {strides = array<i32>} : memref<128xf32, #tpu.memory_space<vmem>>, vector<16xf32>,
      %get3A_371 = vector.shape_cast %get3A_370 : vector<16xf32> to vector<16xf32>
      %lt3A_372 = arith.cmpf olt, %get3A_371, %get3A_241 : vector<16xf32>
      %eq3A_373 = arith.cmpf oeq, %get3A_371, %get3A_241 : vector<16xf32>
      %and3A_374 = arith.andi %ne3A_246, %eq3A_373 : vector<16xi1>
      %or3A_375 = arith.ori %lt3A_372, %and3A_374 : vector<16xi1>
      %jit3A_376 = arith.constant 1 : i32
      %jit3A_377 = arith.constant 0 : i32
      %broadcast_in_dim3A_378 = vector.broadcast %jit3A_376 : i32 to vector<16xi32>
      %broadcast_in_dim3A_379 = vector.broadcast %jit3A_377 : i32 to vector<16xi32>
      %select_n3A_380 = arith.select %or3A_375, %broadcast_in_dim3A_378, %broadcast_in_dim3A_379 : vector<16xi1>, vector<16xi32>
      %add3A_381 = arith.addi %add3A_358, %select_n3A_380 : vector<16xi32>
      %add3A_382 = arith.constant 97 : i32
      %add3A_383 = vector.broadcast %add3A_382 : i32 to vector<16xi32>
      %add3A_384 = arith.addi %iota3A, %add3A_383 : vector<16xi32>
      %mul3A_385 = arith.constant 65536 : i32
      %mul3A_386 = vector.broadcast %mul3A_385 : i32 to vector<16xi32>
      %mul3A_387 = arith.muli %add3A_384, %mul3A_386 : vector<16xi32>
      %add3A_388 = arith.addi %broadcast_in_dim3A_3, %mul3A_387 : vector<16xi32>
      %sub3A_389 = arith.constant 1 : i32
      %sub3A_390 = vector.broadcast %sub3A_389 : i32 to vector<16xi32>
      %sub3A_391 = arith.subi %add3A_388, %sub3A_390 : vector<16xi32>
      %get3A_392 = arith.constant 96 : index
      %get3A_393 = tpu.vector_load %arg10[%get3A_392] {strides = array<i32>} : memref<128xf32, #tpu.memory_space<vmem>>, vector<16xf32>,
      %get3A_394 = vector.shape_cast %get3A_393 : vector<16xf32> to vector<16xf32>
      %lt3A_395 = arith.cmpf olt, %get3A_394, %get3A_241 : vector<16xf32>
      %eq3A_396 = arith.cmpf oeq, %get3A_394, %get3A_241 : vector<16xf32>
      %and3A_397 = arith.andi %ne3A_246, %eq3A_396 : vector<16xi1>
      %or3A_398 = arith.ori %lt3A_395, %and3A_397 : vector<16xi1>
      %jit3A_399 = arith.constant 1 : i32
      %jit3A_400 = arith.constant 0 : i32
      %broadcast_in_dim3A_401 = vector.broadcast %jit3A_399 : i32 to vector<16xi32>
      %broadcast_in_dim3A_402 = vector.broadcast %jit3A_400 : i32 to vector<16xi32>
      %select_n3A_403 = arith.select %or3A_398, %broadcast_in_dim3A_401, %broadcast_in_dim3A_402 : vector<16xi1>, vector<16xi32>
      %add3A_404 = arith.addi %add3A_381, %select_n3A_403 : vector<16xi32>
      %add3A_405 = arith.constant 113 : i32
      %add3A_406 = vector.broadcast %add3A_405 : i32 to vector<16xi32>
      %add3A_407 = arith.addi %iota3A, %add3A_406 : vector<16xi32>
      %mul3A_408 = arith.constant 65536 : i32
      %mul3A_409 = vector.broadcast %mul3A_408 : i32 to vector<16xi32>
      %mul3A_410 = arith.muli %add3A_407, %mul3A_409 : vector<16xi32>
      %add3A_411 = arith.addi %broadcast_in_dim3A_3, %mul3A_410 : vector<16xi32>
      %sub3A_412 = arith.constant 1 : i32
      %sub3A_413 = vector.broadcast %sub3A_412 : i32 to vector<16xi32>
      %sub3A_414 = arith.subi %add3A_411, %sub3A_413 : vector<16xi32>
      %get3A_415 = arith.constant 112 : index
      %get3A_416 = tpu.vector_load %arg10[%get3A_415] {strides = array<i32>} : memref<128xf32, #tpu.memory_space<vmem>>, vector<16xf32>,
      %get3A_417 = vector.shape_cast %get3A_416 : vector<16xf32> to vector<16xf32>
      %lt3A_418 = arith.cmpf olt, %get3A_417, %get3A_241 : vector<16xf32>
      %eq3A_419 = arith.cmpf oeq, %get3A_417, %get3A_241 : vector<16xf32>
      %and3A_420 = arith.andi %ne3A_246, %eq3A_419 : vector<16xi1>
      %or3A_421 = arith.ori %lt3A_418, %and3A_420 : vector<16xi1>
      %jit3A_422 = arith.constant 1 : i32
      %jit3A_423 = arith.constant 0 : i32
      %broadcast_in_dim3A_424 = vector.broadcast %jit3A_422 : i32 to vector<16xi32>
      %broadcast_in_dim3A_425 = vector.broadcast %jit3A_423 : i32 to vector<16xi32>
      %select_n3A_426 = arith.select %or3A_421, %broadcast_in_dim3A_424, %broadcast_in_dim3A_425 : vector<16xi1>, vector<16xi32>
      %add3A_427 = arith.addi %add3A_404, %select_n3A_426 : vector<16xi32>
      %add3A_428 = arith.constant 129 : i32
      %add3A_429 = vector.broadcast %add3A_428 : i32 to vector<16xi32>
      %add3A_430 = arith.addi %iota3A, %add3A_429 : vector<16xi32>
      %mul3A_431 = arith.constant 65536 : i32
      %mul3A_432 = vector.broadcast %mul3A_431 : i32 to vector<16xi32>
      %mul3A_433 = arith.muli %add3A_430, %mul3A_432 : vector<16xi32>
      %add3A_434 = arith.addi %broadcast_in_dim3A_3, %mul3A_433 : vector<16xi32>
      %sub3A_435 = arith.constant 1 : i32
      %sub3A_436 = vector.broadcast %sub3A_435 : i32 to vector<16xi32>
      %sub3A_437 = arith.subi %add3A_434, %sub3A_436 : vector<16xi32>
      %get3A_438 = arith.constant 0 : index
      %get3A_439 = tpu.vector_load %arg11[%get3A_438] {strides = array<i32>} : memref<128xf32, #tpu.memory_space<vmem>>, vector<16xf32>,
      %get3A_440 = vector.shape_cast %get3A_439 : vector<16xf32> to vector<16xf32>
      %lt3A_441 = arith.cmpf olt, %get3A_440, %get3A_241 : vector<16xf32>
      %eq3A_442 = arith.cmpf oeq, %get3A_440, %get3A_241 : vector<16xf32>
      %and3A_443 = arith.andi %ne3A_246, %eq3A_442 : vector<16xi1>
      %or3A_444 = arith.ori %lt3A_441, %and3A_443 : vector<16xi1>
      %jit3A_445 = arith.constant 1 : i32
      %jit3A_446 = arith.constant 0 : i32
      %broadcast_in_dim3A_447 = vector.broadcast %jit3A_445 : i32 to vector<16xi32>
      %broadcast_in_dim3A_448 = vector.broadcast %jit3A_446 : i32 to vector<16xi32>
      %select_n3A_449 = arith.select %or3A_444, %broadcast_in_dim3A_447, %broadcast_in_dim3A_448 : vector<16xi1>, vector<16xi32>
      %add3A_450 = arith.addi %add3A_427, %select_n3A_449 : vector<16xi32>
      %add3A_451 = arith.constant 145 : i32
      %add3A_452 = vector.broadcast %add3A_451 : i32 to vector<16xi32>
      %add3A_453 = arith.addi %iota3A, %add3A_452 : vector<16xi32>
      %mul3A_454 = arith.constant 65536 : i32
      %mul3A_455 = vector.broadcast %mul3A_454 : i32 to vector<16xi32>
      %mul3A_456 = arith.muli %add3A_453, %mul3A_455 : vector<16xi32>
      %add3A_457 = arith.addi %broadcast_in_dim3A_3, %mul3A_456 : vector<16xi32>
      %sub3A_458 = arith.constant 1 : i32
      %sub3A_459 = vector.broadcast %sub3A_458 : i32 to vector<16xi32>
      %sub3A_460 = arith.subi %add3A_457, %sub3A_459 : vector<16xi32>
      %get3A_461 = arith.constant 16 : index
      %get3A_462 = tpu.vector_load %arg11[%get3A_461] {strides = array<i32>} : memref<128xf32, #tpu.memory_space<vmem>>, vector<16xf32>,
      %get3A_463 = vector.shape_cast %get3A_462 : vector<16xf32> to vector<16xf32>
      %lt3A_464 = arith.cmpf olt, %get3A_463, %get3A_241 : vector<16xf32>
      %eq3A_465 = arith.cmpf oeq, %get3A_463, %get3A_241 : vector<16xf32>
      %and3A_466 = arith.andi %ne3A_246, %eq3A_465 : vector<16xi1>
      %or3A_467 = arith.ori %lt3A_464, %and3A_466 : vector<16xi1>
      %jit3A_468 = arith.constant 1 : i32
      %jit3A_469 = arith.constant 0 : i32
      %broadcast_in_dim3A_470 = vector.broadcast %jit3A_468 : i32 to vector<16xi32>
      %broadcast_in_dim3A_471 = vector.broadcast %jit3A_469 : i32 to vector<16xi32>
      %select_n3A_472 = arith.select %or3A_467, %broadcast_in_dim3A_470, %broadcast_in_dim3A_471 : vector<16xi1>, vector<16xi32>
      %add3A_473 = arith.addi %add3A_450, %select_n3A_472 : vector<16xi32>
      %add3A_474 = arith.constant 161 : i32
      %add3A_475 = vector.broadcast %add3A_474 : i32 to vector<16xi32>
      %add3A_476 = arith.addi %iota3A, %add3A_475 : vector<16xi32>
      %mul3A_477 = arith.constant 65536 : i32
      %mul3A_478 = vector.broadcast %mul3A_477 : i32 to vector<16xi32>
      %mul3A_479 = arith.muli %add3A_476, %mul3A_478 : vector<16xi32>
      %add3A_480 = arith.addi %broadcast_in_dim3A_3, %mul3A_479 : vector<16xi32>
      %sub3A_481 = arith.constant 1 : i32
      %sub3A_482 = vector.broadcast %sub3A_481 : i32 to vector<16xi32>
      %sub3A_483 = arith.subi %add3A_480, %sub3A_482 : vector<16xi32>
      %get3A_484 = arith.constant 32 : index
      %get3A_485 = tpu.vector_load %arg11[%get3A_484] {strides = array<i32>} : memref<128xf32, #tpu.memory_space<vmem>>, vector<16xf32>,
      %get3A_486 = vector.shape_cast %get3A_485 : vector<16xf32> to vector<16xf32>
      %lt3A_487 = arith.cmpf olt, %get3A_486, %get3A_241 : vector<16xf32>
      %eq3A_488 = arith.cmpf oeq, %get3A_486, %get3A_241 : vector<16xf32>
      %and3A_489 = arith.andi %ne3A_246, %eq3A_488 : vector<16xi1>
      %or3A_490 = arith.ori %lt3A_487, %and3A_489 : vector<16xi1>
      %jit3A_491 = arith.constant 1 : i32
      %jit3A_492 = arith.constant 0 : i32
      %broadcast_in_dim3A_493 = vector.broadcast %jit3A_491 : i32 to vector<16xi32>
      %broadcast_in_dim3A_494 = vector.broadcast %jit3A_492 : i32 to vector<16xi32>
      %select_n3A_495 = arith.select %or3A_490, %broadcast_in_dim3A_493, %broadcast_in_dim3A_494 : vector<16xi1>, vector<16xi32>
      %add3A_496 = arith.addi %add3A_473, %select_n3A_495 : vector<16xi32>
      %add3A_497 = arith.constant 177 : i32
      %add3A_498 = vector.broadcast %add3A_497 : i32 to vector<16xi32>
      %add3A_499 = arith.addi %iota3A, %add3A_498 : vector<16xi32>
      %mul3A_500 = arith.constant 65536 : i32
      %mul3A_501 = vector.broadcast %mul3A_500 : i32 to vector<16xi32>
      %mul3A_502 = arith.muli %add3A_499, %mul3A_501 : vector<16xi32>
      %add3A_503 = arith.addi %broadcast_in_dim3A_3, %mul3A_502 : vector<16xi32>
      %sub3A_504 = arith.constant 1 : i32
      %sub3A_505 = vector.broadcast %sub3A_504 : i32 to vector<16xi32>
      %sub3A_506 = arith.subi %add3A_503, %sub3A_505 : vector<16xi32>
      %get3A_507 = arith.constant 48 : index
      %get3A_508 = tpu.vector_load %arg11[%get3A_507] {strides = array<i32>} : memref<128xf32, #tpu.memory_space<vmem>>, vector<16xf32>,
      %get3A_509 = vector.shape_cast %get3A_508 : vector<16xf32> to vector<16xf32>
      %lt3A_510 = arith.cmpf olt, %get3A_509, %get3A_241 : vector<16xf32>
      %eq3A_511 = arith.cmpf oeq, %get3A_509, %get3A_241 : vector<16xf32>
      %and3A_512 = arith.andi %ne3A_246, %eq3A_511 : vector<16xi1>
      %or3A_513 = arith.ori %lt3A_510, %and3A_512 : vector<16xi1>
      %jit3A_514 = arith.constant 1 : i32
      %jit3A_515 = arith.constant 0 : i32
      %broadcast_in_dim3A_516 = vector.broadcast %jit3A_514 : i32 to vector<16xi32>
      %broadcast_in_dim3A_517 = vector.broadcast %jit3A_515 : i32 to vector<16xi32>
      %select_n3A_518 = arith.select %or3A_513, %broadcast_in_dim3A_516, %broadcast_in_dim3A_517 : vector<16xi1>, vector<16xi32>
      %add3A_519 = arith.addi %add3A_496, %select_n3A_518 : vector<16xi32>
      %add3A_520 = arith.constant 193 : i32
      %add3A_521 = vector.broadcast %add3A_520 : i32 to vector<16xi32>
      %add3A_522 = arith.addi %iota3A, %add3A_521 : vector<16xi32>
      %mul3A_523 = arith.constant 65536 : i32
      %mul3A_524 = vector.broadcast %mul3A_523 : i32 to vector<16xi32>
      %mul3A_525 = arith.muli %add3A_522, %mul3A_524 : vector<16xi32>
      %add3A_526 = arith.addi %broadcast_in_dim3A_3, %mul3A_525 : vector<16xi32>
      %sub3A_527 = arith.constant 1 : i32
      %sub3A_528 = vector.broadcast %sub3A_527 : i32 to vector<16xi32>
      %sub3A_529 = arith.subi %add3A_526, %sub3A_528 : vector<16xi32>
      %get3A_530 = arith.constant 64 : index
      %get3A_531 = tpu.vector_load %arg11[%get3A_530] {strides = array<i32>} : memref<128xf32, #tpu.memory_space<vmem>>, vector<16xf32>,
      %get3A_532 = vector.shape_cast %get3A_531 : vector<16xf32> to vector<16xf32>
      %lt3A_533 = arith.cmpf olt, %get3A_532, %get3A_241 : vector<16xf32>
      %eq3A_534 = arith.cmpf oeq, %get3A_532, %get3A_241 : vector<16xf32>
      %and3A_535 = arith.andi %ne3A_246, %eq3A_534 : vector<16xi1>
      %or3A_536 = arith.ori %lt3A_533, %and3A_535 : vector<16xi1>
      %jit3A_537 = arith.constant 1 : i32
      %jit3A_538 = arith.constant 0 : i32
      %broadcast_in_dim3A_539 = vector.broadcast %jit3A_537 : i32 to vector<16xi32>
      %broadcast_in_dim3A_540 = vector.broadcast %jit3A_538 : i32 to vector<16xi32>
      %select_n3A_541 = arith.select %or3A_536, %broadcast_in_dim3A_539, %broadcast_in_dim3A_540 : vector<16xi1>, vector<16xi32>
      %add3A_542 = arith.addi %add3A_519, %select_n3A_541 : vector<16xi32>
      %add3A_543 = arith.constant 209 : i32
      %add3A_544 = vector.broadcast %add3A_543 : i32 to vector<16xi32>
      %add3A_545 = arith.addi %iota3A, %add3A_544 : vector<16xi32>
      %mul3A_546 = arith.constant 65536 : i32
      %mul3A_547 = vector.broadcast %mul3A_546 : i32 to vector<16xi32>
      %mul3A_548 = arith.muli %add3A_545, %mul3A_547 : vector<16xi32>
      %add3A_549 = arith.addi %broadcast_in_dim3A_3, %mul3A_548 : vector<16xi32>
      %sub3A_550 = arith.constant 1 : i32
      %sub3A_551 = vector.broadcast %sub3A_550 : i32 to vector<16xi32>
      %sub3A_552 = arith.subi %add3A_549, %sub3A_551 : vector<16xi32>
      %get3A_553 = arith.constant 80 : index
      %get3A_554 = tpu.vector_load %arg11[%get3A_553] {strides = array<i32>} : memref<128xf32, #tpu.memory_space<vmem>>, vector<16xf32>,
      %get3A_555 = vector.shape_cast %get3A_554 : vector<16xf32> to vector<16xf32>
      %lt3A_556 = arith.cmpf olt, %get3A_555, %get3A_241 : vector<16xf32>
      %eq3A_557 = arith.cmpf oeq, %get3A_555, %get3A_241 : vector<16xf32>
      %and3A_558 = arith.andi %ne3A_246, %eq3A_557 : vector<16xi1>
      %or3A_559 = arith.ori %lt3A_556, %and3A_558 : vector<16xi1>
      %jit3A_560 = arith.constant 1 : i32
      %jit3A_561 = arith.constant 0 : i32
      %broadcast_in_dim3A_562 = vector.broadcast %jit3A_560 : i32 to vector<16xi32>
      %broadcast_in_dim3A_563 = vector.broadcast %jit3A_561 : i32 to vector<16xi32>
      %select_n3A_564 = arith.select %or3A_559, %broadcast_in_dim3A_562, %broadcast_in_dim3A_563 : vector<16xi1>, vector<16xi32>
      %add3A_565 = arith.addi %add3A_542, %select_n3A_564 : vector<16xi32>
      %add3A_566 = arith.constant 225 : i32
      %add3A_567 = vector.broadcast %add3A_566 : i32 to vector<16xi32>
      %add3A_568 = arith.addi %iota3A, %add3A_567 : vector<16xi32>
      %mul3A_569 = arith.constant 65536 : i32
      %mul3A_570 = vector.broadcast %mul3A_569 : i32 to vector<16xi32>
      %mul3A_571 = arith.muli %add3A_568, %mul3A_570 : vector<16xi32>
      %add3A_572 = arith.addi %broadcast_in_dim3A_3, %mul3A_571 : vector<16xi32>
      %sub3A_573 = arith.constant 1 : i32
      %sub3A_574 = vector.broadcast %sub3A_573 : i32 to vector<16xi32>
      %sub3A_575 = arith.subi %add3A_572, %sub3A_574 : vector<16xi32>
      %get3A_576 = arith.constant 96 : index
      %get3A_577 = tpu.vector_load %arg11[%get3A_576] {strides = array<i32>} : memref<128xf32, #tpu.memory_space<vmem>>, vector<16xf32>,
      %get3A_578 = vector.shape_cast %get3A_577 : vector<16xf32> to vector<16xf32>
      %lt3A_579 = arith.cmpf olt, %get3A_578, %get3A_241 : vector<16xf32>
      %eq3A_580 = arith.cmpf oeq, %get3A_578, %get3A_241 : vector<16xf32>
      %and3A_581 = arith.andi %ne3A_246, %eq3A_580 : vector<16xi1>
      %or3A_582 = arith.ori %lt3A_579, %and3A_581 : vector<16xi1>
      %jit3A_583 = arith.constant 1 : i32
      %jit3A_584 = arith.constant 0 : i32
      %broadcast_in_dim3A_585 = vector.broadcast %jit3A_583 : i32 to vector<16xi32>
      %broadcast_in_dim3A_586 = vector.broadcast %jit3A_584 : i32 to vector<16xi32>
      %select_n3A_587 = arith.select %or3A_582, %broadcast_in_dim3A_585, %broadcast_in_dim3A_586 : vector<16xi1>, vector<16xi32>
      %add3A_588 = arith.addi %add3A_565, %select_n3A_587 : vector<16xi32>
      %add3A_589 = arith.constant 241 : i32
      %add3A_590 = vector.broadcast %add3A_589 : i32 to vector<16xi32>
      %add3A_591 = arith.addi %iota3A, %add3A_590 : vector<16xi32>
      %mul3A_592 = arith.constant 65536 : i32
      %mul3A_593 = vector.broadcast %mul3A_592 : i32 to vector<16xi32>
      %mul3A_594 = arith.muli %add3A_591, %mul3A_593 : vector<16xi32>
      %add3A_595 = arith.addi %broadcast_in_dim3A_3, %mul3A_594 : vector<16xi32>
      %sub3A_596 = arith.constant 1 : i32
      %sub3A_597 = vector.broadcast %sub3A_596 : i32 to vector<16xi32>
      %sub3A_598 = arith.subi %add3A_595, %sub3A_597 : vector<16xi32>
      %get3A_599 = arith.constant 112 : index
      %get3A_600 = tpu.vector_load %arg11[%get3A_599] {strides = array<i32>} : memref<128xf32, #tpu.memory_space<vmem>>, vector<16xf32>,
      %get3A_601 = vector.shape_cast %get3A_600 : vector<16xf32> to vector<16xf32>
      %lt3A_602 = arith.cmpf olt, %get3A_601, %get3A_241 : vector<16xf32>
      %eq3A_603 = arith.cmpf oeq, %get3A_601, %get3A_241 : vector<16xf32>
      %and3A_604 = arith.andi %ne3A_246, %eq3A_603 : vector<16xi1>
      %or3A_605 = arith.ori %lt3A_602, %and3A_604 : vector<16xi1>
      %jit3A_606 = arith.constant 1 : i32
      %jit3A_607 = arith.constant 0 : i32
      %broadcast_in_dim3A_608 = vector.broadcast %jit3A_606 : i32 to vector<16xi32>
      %broadcast_in_dim3A_609 = vector.broadcast %jit3A_607 : i32 to vector<16xi32>
      %select_n3A_610 = arith.select %or3A_605, %broadcast_in_dim3A_608, %broadcast_in_dim3A_609 : vector<16xi1>, vector<16xi32>
      %add3A_611 = arith.addi %add3A_588, %select_n3A_610 : vector<16xi32>
      %add3A_612 = arith.constant 1 : i32
      %add3A_613 = vector.broadcast %add3A_612 : i32 to vector<16xi32>
      %add3A_614 = arith.addi %iota3A, %add3A_613 : vector<16xi32>
      %and3A_615 = arith.constant 15 : i32
      %and3A_616 = vector.broadcast %and3A_615 : i32 to vector<16xi32>
      %and3A_617 = arith.andi %add3A_614, %and3A_616 : vector<16xi32>
      %broadcast_in_dim3A_618 = vector.shape_cast %and3A_617 : vector<16xi32> to vector<16x1xi32>
      %gather3A = vector.shape_cast %broadcast_in_dim3A_618 : vector<16x1xi32> to vector<16xi32>
      %gather3A_619 = tpu.dynamic_gather %add3A_611[%gather3A] in [0] : vector<16xi32>, vector<16xi32> -> vector<16xi32>
      %add3A_620 = arith.addi %add3A_611, %gather3A_619 : vector<16xi32>
      %add3A_621 = arith.constant 2 : i32
      %add3A_622 = vector.broadcast %add3A_621 : i32 to vector<16xi32>
      %add3A_623 = arith.addi %iota3A, %add3A_622 : vector<16xi32>
      %and3A_624 = arith.constant 15 : i32
      %and3A_625 = vector.broadcast %and3A_624 : i32 to vector<16xi32>
      %and3A_626 = arith.andi %add3A_623, %and3A_625 : vector<16xi32>
      %broadcast_in_dim3A_627 = vector.shape_cast %and3A_626 : vector<16xi32> to vector<16x1xi32>
      %gather3A_628 = vector.shape_cast %broadcast_in_dim3A_627 : vector<16x1xi32> to vector<16xi32>
      %gather3A_629 = tpu.dynamic_gather %add3A_620[%gather3A_628] in [0] : vector<16xi32>, vector<16xi32> -> vector<16xi32>
      %add3A_630 = arith.addi %add3A_620, %gather3A_629 : vector<16xi32>
      %add3A_631 = arith.constant 4 : i32
      %add3A_632 = vector.broadcast %add3A_631 : i32 to vector<16xi32>
      %add3A_633 = arith.addi %iota3A, %add3A_632 : vector<16xi32>
      %and3A_634 = arith.constant 15 : i32
      %and3A_635 = vector.broadcast %and3A_634 : i32 to vector<16xi32>
      %and3A_636 = arith.andi %add3A_633, %and3A_635 : vector<16xi32>
      %broadcast_in_dim3A_637 = vector.shape_cast %and3A_636 : vector<16xi32> to vector<16x1xi32>
      %gather3A_638 = vector.shape_cast %broadcast_in_dim3A_637 : vector<16x1xi32> to vector<16xi32>
      %gather3A_639 = tpu.dynamic_gather %add3A_630[%gather3A_638] in [0] : vector<16xi32>, vector<16xi32> -> vector<16xi32>
      %add3A_640 = arith.addi %add3A_630, %gather3A_639 : vector<16xi32>
      %add3A_641 = arith.constant 8 : i32
      %add3A_642 = vector.broadcast %add3A_641 : i32 to vector<16xi32>
      %add3A_643 = arith.addi %iota3A, %add3A_642 : vector<16xi32>
      %and3A_644 = arith.constant 15 : i32
      %and3A_645 = vector.broadcast %and3A_644 : i32 to vector<16xi32>
      %and3A_646 = arith.andi %add3A_643, %and3A_645 : vector<16xi32>
      %broadcast_in_dim3A_647 = vector.shape_cast %and3A_646 : vector<16xi32> to vector<16x1xi32>
      %gather3A_648 = vector.shape_cast %broadcast_in_dim3A_647 : vector<16x1xi32> to vector<16xi32>
      %gather3A_649 = tpu.dynamic_gather %add3A_640[%gather3A_648] in [0] : vector<16xi32>, vector<16xi32> -> vector<16xi32>
      %add3A_650 = arith.addi %add3A_640, %gather3A_649 : vector<16xi32>
      %mul3A_651 = arith.constant 65536 : i32
      %mul3A_652 = vector.broadcast %mul3A_651 : i32 to vector<16xi32>
      %mul3A_653 = arith.muli %add3A_650, %mul3A_652 : vector<16xi32>
      %add3A_654 = arith.addi %broadcast_in_dim3A_3, %mul3A_653 : vector<16xi32>
      %add3A_655 = arith.constant 1 : i32
      %add3A_656 = vector.broadcast %add3A_655 : i32 to vector<16xi32>
      %add3A_657 = arith.addi %iota3A, %add3A_656 : vector<16xi32>
      %mul3A_658 = arith.constant 256 : i32
      %mul3A_659 = vector.broadcast %mul3A_658 : i32 to vector<16xi32>
      %mul3A_660 = arith.muli %add3A_657, %mul3A_659 : vector<16xi32>
      %add3A_661 = arith.addi %add3A_654, %mul3A_660 : vector<16xi32>
      %sub3A_662 = arith.constant 1 : i32
      %sub3A_663 = vector.broadcast %sub3A_662 : i32 to vector<16xi32>
      %sub3A_664 = arith.subi %add3A_661, %sub3A_663 : vector<16xi32>
      %min3A = arith.constant 16777215 : i32
      %min3A_665 = vector.broadcast %min3A : i32 to vector<16xi32>
      %min3A_666 = arith.minsi %sub3A_664, %min3A_665 : vector<16xi32>
      %swap3A_667 = arith.constant 0 : index
      %swap3A_668 = tpu.vector_load %arg6[%swap3A_667] {strides = array<i32>} : memref<128xi32, #tpu.memory_space<vmem>>, vector<16xi32>,
      %swap3A_669 = vector.shape_cast %swap3A_668 : vector<16xi32> to vector<16xi32>
      %swap3A_670 = vector.shape_cast %min3A_666 : vector<16xi32> to vector<16xi32>
      tpu.vector_store %arg6[%swap3A_667], %swap3A_670 {strides = array<i32>} : memref<128xi32, #tpu.memory_space<vmem>>, vector<16xi32>,
      %add3A_671 = arith.constant 17 : i32
      %add3A_672 = vector.broadcast %add3A_671 : i32 to vector<16xi32>
      %add3A_673 = arith.addi %iota3A, %add3A_672 : vector<16xi32>
      %mul3A_674 = arith.constant 256 : i32
      %mul3A_675 = vector.broadcast %mul3A_674 : i32 to vector<16xi32>
      %mul3A_676 = arith.muli %add3A_673, %mul3A_675 : vector<16xi32>
      %add3A_677 = arith.addi %add3A_654, %mul3A_676 : vector<16xi32>
      %sub3A_678 = arith.constant 1 : i32
      %sub3A_679 = vector.broadcast %sub3A_678 : i32 to vector<16xi32>
      %sub3A_680 = arith.subi %add3A_677, %sub3A_679 : vector<16xi32>
      %min3A_681 = arith.constant 16777215 : i32
      %min3A_682 = vector.broadcast %min3A_681 : i32 to vector<16xi32>
      %min3A_683 = arith.minsi %sub3A_680, %min3A_682 : vector<16xi32>
      %swap3A_684 = arith.constant 16 : index
      %swap3A_685 = tpu.vector_load %arg6[%swap3A_684] {strides = array<i32>} : memref<128xi32, #tpu.memory_space<vmem>>, vector<16xi32>,
      %swap3A_686 = vector.shape_cast %swap3A_685 : vector<16xi32> to vector<16xi32>
      %swap3A_687 = vector.shape_cast %min3A_683 : vector<16xi32> to vector<16xi32>
      tpu.vector_store %arg6[%swap3A_684], %swap3A_687 {strides = array<i32>} : memref<128xi32, #tpu.memory_space<vmem>>, vector<16xi32>,
      %add3A_688 = arith.constant 33 : i32
      %add3A_689 = vector.broadcast %add3A_688 : i32 to vector<16xi32>
      %add3A_690 = arith.addi %iota3A, %add3A_689 : vector<16xi32>
      %mul3A_691 = arith.constant 256 : i32
      %mul3A_692 = vector.broadcast %mul3A_691 : i32 to vector<16xi32>
      %mul3A_693 = arith.muli %add3A_690, %mul3A_692 : vector<16xi32>
      %add3A_694 = arith.addi %add3A_654, %mul3A_693 : vector<16xi32>
      %sub3A_695 = arith.constant 1 : i32
      %sub3A_696 = vector.broadcast %sub3A_695 : i32 to vector<16xi32>
      %sub3A_697 = arith.subi %add3A_694, %sub3A_696 : vector<16xi32>
      %min3A_698 = arith.constant 16777215 : i32
      %min3A_699 = vector.broadcast %min3A_698 : i32 to vector<16xi32>
      %min3A_700 = arith.minsi %sub3A_697, %min3A_699 : vector<16xi32>
      %swap3A_701 = arith.constant 32 : index
      %swap3A_702 = tpu.vector_load %arg6[%swap3A_701] {strides = array<i32>} : memref<128xi32, #tpu.memory_space<vmem>>, vector<16xi32>,
      %swap3A_703 = vector.shape_cast %swap3A_702 : vector<16xi32> to vector<16xi32>
      %swap3A_704 = vector.shape_cast %min3A_700 : vector<16xi32> to vector<16xi32>
      tpu.vector_store %arg6[%swap3A_701], %swap3A_704 {strides = array<i32>} : memref<128xi32, #tpu.memory_space<vmem>>, vector<16xi32>,
      %add3A_705 = arith.constant 49 : i32
      %add3A_706 = vector.broadcast %add3A_705 : i32 to vector<16xi32>
      %add3A_707 = arith.addi %iota3A, %add3A_706 : vector<16xi32>
      %mul3A_708 = arith.constant 256 : i32
      %mul3A_709 = vector.broadcast %mul3A_708 : i32 to vector<16xi32>
      %mul3A_710 = arith.muli %add3A_707, %mul3A_709 : vector<16xi32>
      %add3A_711 = arith.addi %add3A_654, %mul3A_710 : vector<16xi32>
      %sub3A_712 = arith.constant 1 : i32
      %sub3A_713 = vector.broadcast %sub3A_712 : i32 to vector<16xi32>
      %sub3A_714 = arith.subi %add3A_711, %sub3A_713 : vector<16xi32>
      %min3A_715 = arith.constant 16777215 : i32
      %min3A_716 = vector.broadcast %min3A_715 : i32 to vector<16xi32>
      %min3A_717 = arith.minsi %sub3A_714, %min3A_716 : vector<16xi32>
      %swap3A_718 = arith.constant 48 : index
      %swap3A_719 = tpu.vector_load %arg6[%swap3A_718] {strides = array<i32>} : memref<128xi32, #tpu.memory_space<vmem>>, vector<16xi32>,
      %swap3A_720 = vector.shape_cast %swap3A_719 : vector<16xi32> to vector<16xi32>
      %swap3A_721 = vector.shape_cast %min3A_717 : vector<16xi32> to vector<16xi32>
      tpu.vector_store %arg6[%swap3A_718], %swap3A_721 {strides = array<i32>} : memref<128xi32, #tpu.memory_space<vmem>>, vector<16xi32>,
      %add3A_722 = arith.constant 65 : i32
      %add3A_723 = vector.broadcast %add3A_722 : i32 to vector<16xi32>
      %add3A_724 = arith.addi %iota3A, %add3A_723 : vector<16xi32>
      %mul3A_725 = arith.constant 256 : i32
      %mul3A_726 = vector.broadcast %mul3A_725 : i32 to vector<16xi32>
      %mul3A_727 = arith.muli %add3A_724, %mul3A_726 : vector<16xi32>
      %add3A_728 = arith.addi %add3A_654, %mul3A_727 : vector<16xi32>
      %sub3A_729 = arith.constant 1 : i32
      %sub3A_730 = vector.broadcast %sub3A_729 : i32 to vector<16xi32>
      %sub3A_731 = arith.subi %add3A_728, %sub3A_730 : vector<16xi32>
      %min3A_732 = arith.constant 16777215 : i32
      %min3A_733 = vector.broadcast %min3A_732 : i32 to vector<16xi32>
      %min3A_734 = arith.minsi %sub3A_731, %min3A_733 : vector<16xi32>
      %swap3A_735 = arith.constant 64 : index
      %swap3A_736 = tpu.vector_load %arg6[%swap3A_735] {strides = array<i32>} : memref<128xi32, #tpu.memory_space<vmem>>, vector<16xi32>,
      %swap3A_737 = vector.shape_cast %swap3A_736 : vector<16xi32> to vector<16xi32>
      %swap3A_738 = vector.shape_cast %min3A_734 : vector<16xi32> to vector<16xi32>
      tpu.vector_store %arg6[%swap3A_735], %swap3A_738 {strides = array<i32>} : memref<128xi32, #tpu.memory_space<vmem>>, vector<16xi32>,
      %add3A_739 = arith.constant 81 : i32
      %add3A_740 = vector.broadcast %add3A_739 : i32 to vector<16xi32>
      %add3A_741 = arith.addi %iota3A, %add3A_740 : vector<16xi32>
      %mul3A_742 = arith.constant 256 : i32
      %mul3A_743 = vector.broadcast %mul3A_742 : i32 to vector<16xi32>
      %mul3A_744 = arith.muli %add3A_741, %mul3A_743 : vector<16xi32>
      %add3A_745 = arith.addi %add3A_654, %mul3A_744 : vector<16xi32>
      %sub3A_746 = arith.constant 1 : i32
      %sub3A_747 = vector.broadcast %sub3A_746 : i32 to vector<16xi32>
      %sub3A_748 = arith.subi %add3A_745, %sub3A_747 : vector<16xi32>
      %min3A_749 = arith.constant 16777215 : i32
      %min3A_750 = vector.broadcast %min3A_749 : i32 to vector<16xi32>
      %min3A_751 = arith.minsi %sub3A_748, %min3A_750 : vector<16xi32>
      %swap3A_752 = arith.constant 80 : index
      %swap3A_753 = tpu.vector_load %arg6[%swap3A_752] {strides = array<i32>} : memref<128xi32, #tpu.memory_space<vmem>>, vector<16xi32>,
      %swap3A_754 = vector.shape_cast %swap3A_753 : vector<16xi32> to vector<16xi32>
      %swap3A_755 = vector.shape_cast %min3A_751 : vector<16xi32> to vector<16xi32>
      tpu.vector_store %arg6[%swap3A_752], %swap3A_755 {strides = array<i32>} : memref<128xi32, #tpu.memory_space<vmem>>, vector<16xi32>,
      %add3A_756 = arith.constant 97 : i32
      %add3A_757 = vector.broadcast %add3A_756 : i32 to vector<16xi32>
      %add3A_758 = arith.addi %iota3A, %add3A_757 : vector<16xi32>
      %mul3A_759 = arith.constant 256 : i32
      %mul3A_760 = vector.broadcast %mul3A_759 : i32 to vector<16xi32>
      %mul3A_761 = arith.muli %add3A_758, %mul3A_760 : vector<16xi32>
      %add3A_762 = arith.addi %add3A_654, %mul3A_761 : vector<16xi32>
      %sub3A_763 = arith.constant 1 : i32
      %sub3A_764 = vector.broadcast %sub3A_763 : i32 to vector<16xi32>
      %sub3A_765 = arith.subi %add3A_762, %sub3A_764 : vector<16xi32>
      %min3A_766 = arith.constant 16777215 : i32
      %min3A_767 = vector.broadcast %min3A_766 : i32 to vector<16xi32>
      %min3A_768 = arith.minsi %sub3A_765, %min3A_767 : vector<16xi32>
      %swap3A_769 = arith.constant 96 : index
      %swap3A_770 = tpu.vector_load %arg6[%swap3A_769] {strides = array<i32>} : memref<128xi32, #tpu.memory_space<vmem>>, vector<16xi32>,
      %swap3A_771 = vector.shape_cast %swap3A_770 : vector<16xi32> to vector<16xi32>
      %swap3A_772 = vector.shape_cast %min3A_768 : vector<16xi32> to vector<16xi32>
      tpu.vector_store %arg6[%swap3A_769], %swap3A_772 {strides = array<i32>} : memref<128xi32, #tpu.memory_space<vmem>>, vector<16xi32>,
      %add3A_773 = arith.constant 113 : i32
      %add3A_774 = vector.broadcast %add3A_773 : i32 to vector<16xi32>
      %add3A_775 = arith.addi %iota3A, %add3A_774 : vector<16xi32>
      %mul3A_776 = arith.constant 256 : i32
      %mul3A_777 = vector.broadcast %mul3A_776 : i32 to vector<16xi32>
      %mul3A_778 = arith.muli %add3A_775, %mul3A_777 : vector<16xi32>
      %add3A_779 = arith.addi %add3A_654, %mul3A_778 : vector<16xi32>
      %sub3A_780 = arith.constant 1 : i32
      %sub3A_781 = vector.broadcast %sub3A_780 : i32 to vector<16xi32>
      %sub3A_782 = arith.subi %add3A_779, %sub3A_781 : vector<16xi32>
      %min3A_783 = arith.constant 16777215 : i32
      %min3A_784 = vector.broadcast %min3A_783 : i32 to vector<16xi32>
      %min3A_785 = arith.minsi %sub3A_782, %min3A_784 : vector<16xi32>
      %swap3A_786 = arith.constant 112 : index
      %swap3A_787 = tpu.vector_load %arg6[%swap3A_786] {strides = array<i32>} : memref<128xi32, #tpu.memory_space<vmem>>, vector<16xi32>,
      %swap3A_788 = vector.shape_cast %swap3A_787 : vector<16xi32> to vector<16xi32>
      %swap3A_789 = vector.shape_cast %min3A_785 : vector<16xi32> to vector<16xi32>
      tpu.vector_store %arg6[%swap3A_786], %swap3A_789 {strides = array<i32>} : memref<128xi32, #tpu.memory_space<vmem>>, vector<16xi32>,
      %add3A_790 = arith.constant 129 : i32
      %add3A_791 = vector.broadcast %add3A_790 : i32 to vector<16xi32>
      %add3A_792 = arith.addi %iota3A, %add3A_791 : vector<16xi32>
      %mul3A_793 = arith.constant 256 : i32
      %mul3A_794 = vector.broadcast %mul3A_793 : i32 to vector<16xi32>
      %mul3A_795 = arith.muli %add3A_792, %mul3A_794 : vector<16xi32>
      %add3A_796 = arith.addi %add3A_654, %mul3A_795 : vector<16xi32>
      %sub3A_797 = arith.constant 1 : i32
      %sub3A_798 = vector.broadcast %sub3A_797 : i32 to vector<16xi32>
      %sub3A_799 = arith.subi %add3A_796, %sub3A_798 : vector<16xi32>
      %min3A_800 = arith.constant 16777215 : i32
      %min3A_801 = vector.broadcast %min3A_800 : i32 to vector<16xi32>
      %min3A_802 = arith.minsi %sub3A_799, %min3A_801 : vector<16xi32>
      %swap3A_803 = arith.constant 0 : index
      %swap3A_804 = tpu.vector_load %arg7[%swap3A_803] {strides = array<i32>} : memref<128xi32, #tpu.memory_space<vmem>>, vector<16xi32>,
      %swap3A_805 = vector.shape_cast %swap3A_804 : vector<16xi32> to vector<16xi32>
      %swap3A_806 = vector.shape_cast %min3A_802 : vector<16xi32> to vector<16xi32>
      tpu.vector_store %arg7[%swap3A_803], %swap3A_806 {strides = array<i32>} : memref<128xi32, #tpu.memory_space<vmem>>, vector<16xi32>,
      %add3A_807 = arith.constant 145 : i32
      %add3A_808 = vector.broadcast %add3A_807 : i32 to vector<16xi32>
      %add3A_809 = arith.addi %iota3A, %add3A_808 : vector<16xi32>
      %mul3A_810 = arith.constant 256 : i32
      %mul3A_811 = vector.broadcast %mul3A_810 : i32 to vector<16xi32>
      %mul3A_812 = arith.muli %add3A_809, %mul3A_811 : vector<16xi32>
      %add3A_813 = arith.addi %add3A_654, %mul3A_812 : vector<16xi32>
      %sub3A_814 = arith.constant 1 : i32
      %sub3A_815 = vector.broadcast %sub3A_814 : i32 to vector<16xi32>
      %sub3A_816 = arith.subi %add3A_813, %sub3A_815 : vector<16xi32>
      %min3A_817 = arith.constant 16777215 : i32
      %min3A_818 = vector.broadcast %min3A_817 : i32 to vector<16xi32>
      %min3A_819 = arith.minsi %sub3A_816, %min3A_818 : vector<16xi32>
      %swap3A_820 = arith.constant 16 : index
      %swap3A_821 = tpu.vector_load %arg7[%swap3A_820] {strides = array<i32>} : memref<128xi32, #tpu.memory_space<vmem>>, vector<16xi32>,
      %swap3A_822 = vector.shape_cast %swap3A_821 : vector<16xi32> to vector<16xi32>
      %swap3A_823 = vector.shape_cast %min3A_819 : vector<16xi32> to vector<16xi32>
      tpu.vector_store %arg7[%swap3A_820], %swap3A_823 {strides = array<i32>} : memref<128xi32, #tpu.memory_space<vmem>>, vector<16xi32>,
      %add3A_824 = arith.constant 161 : i32
      %add3A_825 = vector.broadcast %add3A_824 : i32 to vector<16xi32>
      %add3A_826 = arith.addi %iota3A, %add3A_825 : vector<16xi32>
      %mul3A_827 = arith.constant 256 : i32
      %mul3A_828 = vector.broadcast %mul3A_827 : i32 to vector<16xi32>
      %mul3A_829 = arith.muli %add3A_826, %mul3A_828 : vector<16xi32>
      %add3A_830 = arith.addi %add3A_654, %mul3A_829 : vector<16xi32>
      %sub3A_831 = arith.constant 1 : i32
      %sub3A_832 = vector.broadcast %sub3A_831 : i32 to vector<16xi32>
      %sub3A_833 = arith.subi %add3A_830, %sub3A_832 : vector<16xi32>
      %min3A_834 = arith.constant 16777215 : i32
      %min3A_835 = vector.broadcast %min3A_834 : i32 to vector<16xi32>
      %min3A_836 = arith.minsi %sub3A_833, %min3A_835 : vector<16xi32>
      %swap3A_837 = arith.constant 32 : index
      %swap3A_838 = tpu.vector_load %arg7[%swap3A_837] {strides = array<i32>} : memref<128xi32, #tpu.memory_space<vmem>>, vector<16xi32>,
      %swap3A_839 = vector.shape_cast %swap3A_838 : vector<16xi32> to vector<16xi32>
      %swap3A_840 = vector.shape_cast %min3A_836 : vector<16xi32> to vector<16xi32>
      tpu.vector_store %arg7[%swap3A_837], %swap3A_840 {strides = array<i32>} : memref<128xi32, #tpu.memory_space<vmem>>, vector<16xi32>,
      %add3A_841 = arith.constant 177 : i32
      %add3A_842 = vector.broadcast %add3A_841 : i32 to vector<16xi32>
      %add3A_843 = arith.addi %iota3A, %add3A_842 : vector<16xi32>
      %mul3A_844 = arith.constant 256 : i32
      %mul3A_845 = vector.broadcast %mul3A_844 : i32 to vector<16xi32>
      %mul3A_846 = arith.muli %add3A_843, %mul3A_845 : vector<16xi32>
      %add3A_847 = arith.addi %add3A_654, %mul3A_846 : vector<16xi32>
      %sub3A_848 = arith.constant 1 : i32
      %sub3A_849 = vector.broadcast %sub3A_848 : i32 to vector<16xi32>
      %sub3A_850 = arith.subi %add3A_847, %sub3A_849 : vector<16xi32>
      %min3A_851 = arith.constant 16777215 : i32
      %min3A_852 = vector.broadcast %min3A_851 : i32 to vector<16xi32>
      %min3A_853 = arith.minsi %sub3A_850, %min3A_852 : vector<16xi32>
      %swap3A_854 = arith.constant 48 : index
      %swap3A_855 = tpu.vector_load %arg7[%swap3A_854] {strides = array<i32>} : memref<128xi32, #tpu.memory_space<vmem>>, vector<16xi32>,
      %swap3A_856 = vector.shape_cast %swap3A_855 : vector<16xi32> to vector<16xi32>
      %swap3A_857 = vector.shape_cast %min3A_853 : vector<16xi32> to vector<16xi32>
      tpu.vector_store %arg7[%swap3A_854], %swap3A_857 {strides = array<i32>} : memref<128xi32, #tpu.memory_space<vmem>>, vector<16xi32>,
      %add3A_858 = arith.constant 193 : i32
      %add3A_859 = vector.broadcast %add3A_858 : i32 to vector<16xi32>
      %add3A_860 = arith.addi %iota3A, %add3A_859 : vector<16xi32>
      %mul3A_861 = arith.constant 256 : i32
      %mul3A_862 = vector.broadcast %mul3A_861 : i32 to vector<16xi32>
      %mul3A_863 = arith.muli %add3A_860, %mul3A_862 : vector<16xi32>
      %add3A_864 = arith.addi %add3A_654, %mul3A_863 : vector<16xi32>
      %sub3A_865 = arith.constant 1 : i32
      %sub3A_866 = vector.broadcast %sub3A_865 : i32 to vector<16xi32>
      %sub3A_867 = arith.subi %add3A_864, %sub3A_866 : vector<16xi32>
      %min3A_868 = arith.constant 16777215 : i32
      %min3A_869 = vector.broadcast %min3A_868 : i32 to vector<16xi32>
      %min3A_870 = arith.minsi %sub3A_867, %min3A_869 : vector<16xi32>
      %swap3A_871 = arith.constant 64 : index
      %swap3A_872 = tpu.vector_load %arg7[%swap3A_871] {strides = array<i32>} : memref<128xi32, #tpu.memory_space<vmem>>, vector<16xi32>,
      %swap3A_873 = vector.shape_cast %swap3A_872 : vector<16xi32> to vector<16xi32>
      %swap3A_874 = vector.shape_cast %min3A_870 : vector<16xi32> to vector<16xi32>
      tpu.vector_store %arg7[%swap3A_871], %swap3A_874 {strides = array<i32>} : memref<128xi32, #tpu.memory_space<vmem>>, vector<16xi32>,
      %add3A_875 = arith.constant 209 : i32
      %add3A_876 = vector.broadcast %add3A_875 : i32 to vector<16xi32>
      %add3A_877 = arith.addi %iota3A, %add3A_876 : vector<16xi32>
      %mul3A_878 = arith.constant 256 : i32
      %mul3A_879 = vector.broadcast %mul3A_878 : i32 to vector<16xi32>
      %mul3A_880 = arith.muli %add3A_877, %mul3A_879 : vector<16xi32>
      %add3A_881 = arith.addi %add3A_654, %mul3A_880 : vector<16xi32>
      %sub3A_882 = arith.constant 1 : i32
      %sub3A_883 = vector.broadcast %sub3A_882 : i32 to vector<16xi32>
      %sub3A_884 = arith.subi %add3A_881, %sub3A_883 : vector<16xi32>
      %min3A_885 = arith.constant 16777215 : i32
      %min3A_886 = vector.broadcast %min3A_885 : i32 to vector<16xi32>
      %min3A_887 = arith.minsi %sub3A_884, %min3A_886 : vector<16xi32>
      %swap3A_888 = arith.constant 80 : index
      %swap3A_889 = tpu.vector_load %arg7[%swap3A_888] {strides = array<i32>} : memref<128xi32, #tpu.memory_space<vmem>>, vector<16xi32>,
      %swap3A_890 = vector.shape_cast %swap3A_889 : vector<16xi32> to vector<16xi32>
      %swap3A_891 = vector.shape_cast %min3A_887 : vector<16xi32> to vector<16xi32>
      tpu.vector_store %arg7[%swap3A_888], %swap3A_891 {strides = array<i32>} : memref<128xi32, #tpu.memory_space<vmem>>, vector<16xi32>,
      %add3A_892 = arith.constant 225 : i32
      %add3A_893 = vector.broadcast %add3A_892 : i32 to vector<16xi32>
      %add3A_894 = arith.addi %iota3A, %add3A_893 : vector<16xi32>
      %mul3A_895 = arith.constant 256 : i32
      %mul3A_896 = vector.broadcast %mul3A_895 : i32 to vector<16xi32>
      %mul3A_897 = arith.muli %add3A_894, %mul3A_896 : vector<16xi32>
      %add3A_898 = arith.addi %add3A_654, %mul3A_897 : vector<16xi32>
      %sub3A_899 = arith.constant 1 : i32
      %sub3A_900 = vector.broadcast %sub3A_899 : i32 to vector<16xi32>
      %sub3A_901 = arith.subi %add3A_898, %sub3A_900 : vector<16xi32>
      %min3A_902 = arith.constant 16777215 : i32
      %min3A_903 = vector.broadcast %min3A_902 : i32 to vector<16xi32>
      %min3A_904 = arith.minsi %sub3A_901, %min3A_903 : vector<16xi32>
      %swap3A_905 = arith.constant 96 : index
      %swap3A_906 = tpu.vector_load %arg7[%swap3A_905] {strides = array<i32>} : memref<128xi32, #tpu.memory_space<vmem>>, vector<16xi32>,
      %swap3A_907 = vector.shape_cast %swap3A_906 : vector<16xi32> to vector<16xi32>
      %swap3A_908 = vector.shape_cast %min3A_904 : vector<16xi32> to vector<16xi32>
      tpu.vector_store %arg7[%swap3A_905], %swap3A_908 {strides = array<i32>} : memref<128xi32, #tpu.memory_space<vmem>>, vector<16xi32>,
      %add3A_909 = arith.constant 241 : i32
      %add3A_910 = vector.broadcast %add3A_909 : i32 to vector<16xi32>
      %add3A_911 = arith.addi %iota3A, %add3A_910 : vector<16xi32>
      %mul3A_912 = arith.constant 256 : i32
      %mul3A_913 = vector.broadcast %mul3A_912 : i32 to vector<16xi32>
      %mul3A_914 = arith.muli %add3A_911, %mul3A_913 : vector<16xi32>
      %add3A_915 = arith.addi %add3A_654, %mul3A_914 : vector<16xi32>
      %sub3A_916 = arith.constant 1 : i32
      %sub3A_917 = vector.broadcast %sub3A_916 : i32 to vector<16xi32>
      %sub3A_918 = arith.subi %add3A_915, %sub3A_917 : vector<16xi32>
      %min3A_919 = arith.constant 16777215 : i32
      %min3A_920 = vector.broadcast %min3A_919 : i32 to vector<16xi32>
      %min3A_921 = arith.minsi %sub3A_918, %min3A_920 : vector<16xi32>
      %swap3A_922 = arith.constant 112 : index
      %swap3A_923 = tpu.vector_load %arg7[%swap3A_922] {strides = array<i32>} : memref<128xi32, #tpu.memory_space<vmem>>, vector<16xi32>,
      %swap3A_924 = vector.shape_cast %swap3A_923 : vector<16xi32> to vector<16xi32>
      %swap3A_925 = vector.shape_cast %min3A_921 : vector<16xi32> to vector<16xi32>
      tpu.vector_store %arg7[%swap3A_922], %swap3A_925 {strides = array<i32>} : memref<128xi32, #tpu.memory_space<vmem>>, vector<16xi32>,
      %dma_start3A_926 = arith.constant 0 : i32
      %dma_start3A_927 = tpu.memref_slice %arg3[%dma_start3A_926] : memref<16777216xi32, #tpu.memory_space<hbm>> -> memref<16777216xi32, #tpu.memory_space<hbm>>
      tpu.enqueue_indirect_dma source(%dma_start3A_927 : memref<16777216xi32, #tpu.memory_space<hbm>>) target(%arg8 : memref<128xi32, #tpu.memory_space<vmem>>) offsets(%arg6 : memref<128xi32, #tpu.memory_space<vmem>>) semaphore(%arg14 : memref<!tpu.dma_semaphore, #tpu.memory_space<semaphore_mem>>)
      %dma_start3A_928 = arith.constant 0 : i32
      %dma_start3A_929 = tpu.memref_slice %arg3[%dma_start3A_928] : memref<16777216xi32, #tpu.memory_space<hbm>> -> memref<16777216xi32, #tpu.memory_space<hbm>>
      tpu.enqueue_indirect_dma source(%dma_start3A_929 : memref<16777216xi32, #tpu.memory_space<hbm>>) target(%arg9 : memref<128xi32, #tpu.memory_space<vmem>>) offsets(%arg7 : memref<128xi32, #tpu.memory_space<vmem>>) semaphore(%arg15 : memref<!tpu.dma_semaphore, #tpu.memory_space<semaphore_mem>>)
      %dma_wait3A_930 = arith.constant 0 : i32
      %dma_wait3A_931 = tpu.memref_slice %arg3[%dma_wait3A_930] : memref<16777216xi32, #tpu.memory_space<hbm>> -> memref<16777216xi32, #tpu.memory_space<hbm>>
      tpu.wait_indirect_dma semaphore(%arg14 : memref<!tpu.dma_semaphore, #tpu.memory_space<semaphore_mem>>) src(%dma_wait3A_931 : memref<16777216xi32, #tpu.memory_space<hbm>>) dst(%arg8 : memref<128xi32, #tpu.memory_space<vmem>>)
      %dma_start3A_932 = arith.constant 0 : i32
      %dma_start3A_933 = tpu.memref_slice %arg2[%dma_start3A_932] : memref<16777216xf32, #tpu.memory_space<hbm>> -> memref<16777216xf32, #tpu.memory_space<hbm>>
      tpu.enqueue_indirect_dma source(%dma_start3A_933 : memref<16777216xf32, #tpu.memory_space<hbm>>) target(%arg10 : memref<128xf32, #tpu.memory_space<vmem>>) offsets(%arg8 : memref<128xi32, #tpu.memory_space<vmem>>) semaphore(%arg16 : memref<!tpu.dma_semaphore, #tpu.memory_space<semaphore_mem>>)
      %dma_wait3A_934 = arith.constant 0 : i32
      %dma_wait3A_935 = tpu.memref_slice %arg3[%dma_wait3A_934] : memref<16777216xi32, #tpu.memory_space<hbm>> -> memref<16777216xi32, #tpu.memory_space<hbm>>
      tpu.wait_indirect_dma semaphore(%arg15 : memref<!tpu.dma_semaphore, #tpu.memory_space<semaphore_mem>>) src(%dma_wait3A_935 : memref<16777216xi32, #tpu.memory_space<hbm>>) dst(%arg9 : memref<128xi32, #tpu.memory_space<vmem>>)
      %dma_start3A_936 = arith.constant 0 : i32
      %dma_start3A_937 = tpu.memref_slice %arg2[%dma_start3A_936] : memref<16777216xf32, #tpu.memory_space<hbm>> -> memref<16777216xf32, #tpu.memory_space<hbm>>
      tpu.enqueue_indirect_dma source(%dma_start3A_937 : memref<16777216xf32, #tpu.memory_space<hbm>>) target(%arg11 : memref<128xf32, #tpu.memory_space<vmem>>) offsets(%arg9 : memref<128xi32, #tpu.memory_space<vmem>>) semaphore(%arg16 : memref<!tpu.dma_semaphore, #tpu.memory_space<semaphore_mem>>)
      %dma_wait3A_938 = arith.constant 0 : i32
      %dma_wait3A_939 = tpu.memref_slice %arg2[%dma_wait3A_938] : memref<16777216xf32, #tpu.memory_space<hbm>> -> memref<16777216xf32, #tpu.memory_space<hbm>>
      tpu.wait_indirect_dma semaphore(%arg16 : memref<!tpu.dma_semaphore, #tpu.memory_space<semaphore_mem>>) src(%dma_wait3A_939 : memref<16777216xf32, #tpu.memory_space<hbm>>) dst(%arg10 : memref<128xf32, #tpu.memory_space<vmem>>)
      %dma_wait3A_940 = arith.constant 0 : i32
      %dma_wait3A_941 = tpu.memref_slice %arg2[%dma_wait3A_940] : memref<16777216xf32, #tpu.memory_space<hbm>> -> memref<16777216xf32, #tpu.memory_space<hbm>>
      tpu.wait_indirect_dma semaphore(%arg16 : memref<!tpu.dma_semaphore, #tpu.memory_space<semaphore_mem>>) src(%dma_wait3A_941 : memref<16777216xf32, #tpu.memory_space<hbm>>) dst(%arg11 : memref<128xf32, #tpu.memory_space<vmem>>)
      %get3A_942 = arith.constant 0 : index
      %get3A_943 = tpu.vector_load %arg12[%get3A_942] {strides = array<i32>} : memref<32xf32, #tpu.memory_space<vmem>>, vector<16xf32>,
      %get3A_944 = vector.shape_cast %get3A_943 : vector<16xf32> to vector<16xf32>
      %get3A_945 = arith.constant 16 : index
      %get3A_946 = tpu.vector_load %arg12[%get3A_945] {strides = array<i32>} : memref<32xf32, #tpu.memory_space<vmem>>, vector<16xf32>,
      %get3A_947 = vector.shape_cast %get3A_946 : vector<16xf32> to vector<16xf32>
      %ne3A_948 = arith.constant 0.000000e+00 : f32
      %ne3A_949 = vector.broadcast %ne3A_948 : f32 to vector<16xf32>
      %ne3A_950 = arith.cmpf one, %get3A_947, %ne3A_949 : vector<16xf32>
      %broadcast_in_dim3A_951 = arith.constant 0 : i32
      %broadcast_in_dim3A_952 = vector.broadcast %broadcast_in_dim3A_951 : i32 to vector<16xi32>
      %add3A_953 = arith.constant 1 : i32
      %add3A_954 = vector.broadcast %add3A_953 : i32 to vector<16xi32>
      %add3A_955 = arith.addi %iota3A, %add3A_954 : vector<16xi32>
      %mul3A_956 = arith.constant 256 : i32
      %mul3A_957 = vector.broadcast %mul3A_956 : i32 to vector<16xi32>
      %mul3A_958 = arith.muli %add3A_955, %mul3A_957 : vector<16xi32>
      %add3A_959 = arith.addi %add3A_654, %mul3A_958 : vector<16xi32>
      %sub3A_960 = arith.constant 1 : i32
      %sub3A_961 = vector.broadcast %sub3A_960 : i32 to vector<16xi32>
      %sub3A_962 = arith.subi %add3A_959, %sub3A_961 : vector<16xi32>
      %get3A_963 = arith.constant 0 : index
      %get3A_964 = tpu.vector_load %arg10[%get3A_963] {strides = array<i32>} : memref<128xf32, #tpu.memory_space<vmem>>, vector<16xf32>,
      %get3A_965 = vector.shape_cast %get3A_964 : vector<16xf32> to vector<16xf32>
      %lt3A_966 = arith.cmpf olt, %get3A_965, %get3A_944 : vector<16xf32>
      %eq3A_967 = arith.cmpf oeq, %get3A_965, %get3A_944 : vector<16xf32>
      %and3A_968 = arith.andi %ne3A_950, %eq3A_967 : vector<16xi1>
      %or3A_969 = arith.ori %lt3A_966, %and3A_968 : vector<16xi1>
      %le3A = arith.constant 16777215 : i32
      %le3A_970 = vector.broadcast %le3A : i32 to vector<16xi32>
      %le3A_971 = arith.cmpi sle, %sub3A_962, %le3A_970 : vector<16xi32>
      %and3A_972 = arith.andi %le3A_971, %or3A_969 : vector<16xi1>
      %jit3A_973 = arith.constant 1 : i32
      %jit3A_974 = arith.constant 0 : i32
      %broadcast_in_dim3A_975 = vector.broadcast %jit3A_973 : i32 to vector<16xi32>
      %broadcast_in_dim3A_976 = vector.broadcast %jit3A_974 : i32 to vector<16xi32>
      %select_n3A_977 = arith.select %and3A_972, %broadcast_in_dim3A_975, %broadcast_in_dim3A_976 : vector<16xi1>, vector<16xi32>
      %add3A_978 = arith.addi %broadcast_in_dim3A_952, %select_n3A_977 : vector<16xi32>
      %add3A_979 = arith.constant 17 : i32
      %add3A_980 = vector.broadcast %add3A_979 : i32 to vector<16xi32>
      %add3A_981 = arith.addi %iota3A, %add3A_980 : vector<16xi32>
      %mul3A_982 = arith.constant 256 : i32
      %mul3A_983 = vector.broadcast %mul3A_982 : i32 to vector<16xi32>
      %mul3A_984 = arith.muli %add3A_981, %mul3A_983 : vector<16xi32>
      %add3A_985 = arith.addi %add3A_654, %mul3A_984 : vector<16xi32>
      %sub3A_986 = arith.constant 1 : i32
      %sub3A_987 = vector.broadcast %sub3A_986 : i32 to vector<16xi32>
      %sub3A_988 = arith.subi %add3A_985, %sub3A_987 : vector<16xi32>
      %get3A_989 = arith.constant 16 : index
      %get3A_990 = tpu.vector_load %arg10[%get3A_989] {strides = array<i32>} : memref<128xf32, #tpu.memory_space<vmem>>, vector<16xf32>,
      %get3A_991 = vector.shape_cast %get3A_990 : vector<16xf32> to vector<16xf32>
      %lt3A_992 = arith.cmpf olt, %get3A_991, %get3A_944 : vector<16xf32>
      %eq3A_993 = arith.cmpf oeq, %get3A_991, %get3A_944 : vector<16xf32>
      %and3A_994 = arith.andi %ne3A_950, %eq3A_993 : vector<16xi1>
      %or3A_995 = arith.ori %lt3A_992, %and3A_994 : vector<16xi1>
      %le3A_996 = arith.constant 16777215 : i32
      %le3A_997 = vector.broadcast %le3A_996 : i32 to vector<16xi32>
      %le3A_998 = arith.cmpi sle, %sub3A_988, %le3A_997 : vector<16xi32>
      %and3A_999 = arith.andi %le3A_998, %or3A_995 : vector<16xi1>
      %jit3A_1000 = arith.constant 1 : i32
      %jit3A_1001 = arith.constant 0 : i32
      %broadcast_in_dim3A_1002 = vector.broadcast %jit3A_1000 : i32 to vector<16xi32>
      %broadcast_in_dim3A_1003 = vector.broadcast %jit3A_1001 : i32 to vector<16xi32>
      %select_n3A_1004 = arith.select %and3A_999, %broadcast_in_dim3A_1002, %broadcast_in_dim3A_1003 : vector<16xi1>, vector<16xi32>
      %add3A_1005 = arith.addi %add3A_978, %select_n3A_1004 : vector<16xi32>
      %add3A_1006 = arith.constant 33 : i32
      %add3A_1007 = vector.broadcast %add3A_1006 : i32 to vector<16xi32>
      %add3A_1008 = arith.addi %iota3A, %add3A_1007 : vector<16xi32>
      %mul3A_1009 = arith.constant 256 : i32
      %mul3A_1010 = vector.broadcast %mul3A_1009 : i32 to vector<16xi32>
      %mul3A_1011 = arith.muli %add3A_1008, %mul3A_1010 : vector<16xi32>
      %add3A_1012 = arith.addi %add3A_654, %mul3A_1011 : vector<16xi32>
      %sub3A_1013 = arith.constant 1 : i32
      %sub3A_1014 = vector.broadcast %sub3A_1013 : i32 to vector<16xi32>
      %sub3A_1015 = arith.subi %add3A_1012, %sub3A_1014 : vector<16xi32>
      %get3A_1016 = arith.constant 32 : index
      %get3A_1017 = tpu.vector_load %arg10[%get3A_1016] {strides = array<i32>} : memref<128xf32, #tpu.memory_space<vmem>>, vector<16xf32>,
      %get3A_1018 = vector.shape_cast %get3A_1017 : vector<16xf32> to vector<16xf32>
      %lt3A_1019 = arith.cmpf olt, %get3A_1018, %get3A_944 : vector<16xf32>
      %eq3A_1020 = arith.cmpf oeq, %get3A_1018, %get3A_944 : vector<16xf32>
      %and3A_1021 = arith.andi %ne3A_950, %eq3A_1020 : vector<16xi1>
      %or3A_1022 = arith.ori %lt3A_1019, %and3A_1021 : vector<16xi1>
      %le3A_1023 = arith.constant 16777215 : i32
      %le3A_1024 = vector.broadcast %le3A_1023 : i32 to vector<16xi32>
      %le3A_1025 = arith.cmpi sle, %sub3A_1015, %le3A_1024 : vector<16xi32>
      %and3A_1026 = arith.andi %le3A_1025, %or3A_1022 : vector<16xi1>
      %jit3A_1027 = arith.constant 1 : i32
      %jit3A_1028 = arith.constant 0 : i32
      %broadcast_in_dim3A_1029 = vector.broadcast %jit3A_1027 : i32 to vector<16xi32>
      %broadcast_in_dim3A_1030 = vector.broadcast %jit3A_1028 : i32 to vector<16xi32>
      %select_n3A_1031 = arith.select %and3A_1026, %broadcast_in_dim3A_1029, %broadcast_in_dim3A_1030 : vector<16xi1>, vector<16xi32>
      %add3A_1032 = arith.addi %add3A_1005, %select_n3A_1031 : vector<16xi32>
      %add3A_1033 = arith.constant 49 : i32
      %add3A_1034 = vector.broadcast %add3A_1033 : i32 to vector<16xi32>
      %add3A_1035 = arith.addi %iota3A, %add3A_1034 : vector<16xi32>
      %mul3A_1036 = arith.constant 256 : i32
      %mul3A_1037 = vector.broadcast %mul3A_1036 : i32 to vector<16xi32>
      %mul3A_1038 = arith.muli %add3A_1035, %mul3A_1037 : vector<16xi32>
      %add3A_1039 = arith.addi %add3A_654, %mul3A_1038 : vector<16xi32>
      %sub3A_1040 = arith.constant 1 : i32
      %sub3A_1041 = vector.broadcast %sub3A_1040 : i32 to vector<16xi32>
      %sub3A_1042 = arith.subi %add3A_1039, %sub3A_1041 : vector<16xi32>
      %get3A_1043 = arith.constant 48 : index
      %get3A_1044 = tpu.vector_load %arg10[%get3A_1043] {strides = array<i32>} : memref<128xf32, #tpu.memory_space<vmem>>, vector<16xf32>,
      %get3A_1045 = vector.shape_cast %get3A_1044 : vector<16xf32> to vector<16xf32>
      %lt3A_1046 = arith.cmpf olt, %get3A_1045, %get3A_944 : vector<16xf32>
      %eq3A_1047 = arith.cmpf oeq, %get3A_1045, %get3A_944 : vector<16xf32>
      %and3A_1048 = arith.andi %ne3A_950, %eq3A_1047 : vector<16xi1>
      %or3A_1049 = arith.ori %lt3A_1046, %and3A_1048 : vector<16xi1>
      %le3A_1050 = arith.constant 16777215 : i32
      %le3A_1051 = vector.broadcast %le3A_1050 : i32 to vector<16xi32>
      %le3A_1052 = arith.cmpi sle, %sub3A_1042, %le3A_1051 : vector<16xi32>
      %and3A_1053 = arith.andi %le3A_1052, %or3A_1049 : vector<16xi1>
      %jit3A_1054 = arith.constant 1 : i32
      %jit3A_1055 = arith.constant 0 : i32
      %broadcast_in_dim3A_1056 = vector.broadcast %jit3A_1054 : i32 to vector<16xi32>
      %broadcast_in_dim3A_1057 = vector.broadcast %jit3A_1055 : i32 to vector<16xi32>
      %select_n3A_1058 = arith.select %and3A_1053, %broadcast_in_dim3A_1056, %broadcast_in_dim3A_1057 : vector<16xi1>, vector<16xi32>
      %add3A_1059 = arith.addi %add3A_1032, %select_n3A_1058 : vector<16xi32>
      %add3A_1060 = arith.constant 65 : i32
      %add3A_1061 = vector.broadcast %add3A_1060 : i32 to vector<16xi32>
      %add3A_1062 = arith.addi %iota3A, %add3A_1061 : vector<16xi32>
      %mul3A_1063 = arith.constant 256 : i32
      %mul3A_1064 = vector.broadcast %mul3A_1063 : i32 to vector<16xi32>
      %mul3A_1065 = arith.muli %add3A_1062, %mul3A_1064 : vector<16xi32>
      %add3A_1066 = arith.addi %add3A_654, %mul3A_1065 : vector<16xi32>
      %sub3A_1067 = arith.constant 1 : i32
      %sub3A_1068 = vector.broadcast %sub3A_1067 : i32 to vector<16xi32>
      %sub3A_1069 = arith.subi %add3A_1066, %sub3A_1068 : vector<16xi32>
      %get3A_1070 = arith.constant 64 : index
      %get3A_1071 = tpu.vector_load %arg10[%get3A_1070] {strides = array<i32>} : memref<128xf32, #tpu.memory_space<vmem>>, vector<16xf32>,
      %get3A_1072 = vector.shape_cast %get3A_1071 : vector<16xf32> to vector<16xf32>
      %lt3A_1073 = arith.cmpf olt, %get3A_1072, %get3A_944 : vector<16xf32>
      %eq3A_1074 = arith.cmpf oeq, %get3A_1072, %get3A_944 : vector<16xf32>
      %and3A_1075 = arith.andi %ne3A_950, %eq3A_1074 : vector<16xi1>
      %or3A_1076 = arith.ori %lt3A_1073, %and3A_1075 : vector<16xi1>
      %le3A_1077 = arith.constant 16777215 : i32
      %le3A_1078 = vector.broadcast %le3A_1077 : i32 to vector<16xi32>
      %le3A_1079 = arith.cmpi sle, %sub3A_1069, %le3A_1078 : vector<16xi32>
      %and3A_1080 = arith.andi %le3A_1079, %or3A_1076 : vector<16xi1>
      %jit3A_1081 = arith.constant 1 : i32
      %jit3A_1082 = arith.constant 0 : i32
      %broadcast_in_dim3A_1083 = vector.broadcast %jit3A_1081 : i32 to vector<16xi32>
      %broadcast_in_dim3A_1084 = vector.broadcast %jit3A_1082 : i32 to vector<16xi32>
      %select_n3A_1085 = arith.select %and3A_1080, %broadcast_in_dim3A_1083, %broadcast_in_dim3A_1084 : vector<16xi1>, vector<16xi32>
      %add3A_1086 = arith.addi %add3A_1059, %select_n3A_1085 : vector<16xi32>
      %add3A_1087 = arith.constant 81 : i32
      %add3A_1088 = vector.broadcast %add3A_1087 : i32 to vector<16xi32>
      %add3A_1089 = arith.addi %iota3A, %add3A_1088 : vector<16xi32>
      %mul3A_1090 = arith.constant 256 : i32
      %mul3A_1091 = vector.broadcast %mul3A_1090 : i32 to vector<16xi32>
      %mul3A_1092 = arith.muli %add3A_1089, %mul3A_1091 : vector<16xi32>
      %add3A_1093 = arith.addi %add3A_654, %mul3A_1092 : vector<16xi32>
      %sub3A_1094 = arith.constant 1 : i32
      %sub3A_1095 = vector.broadcast %sub3A_1094 : i32 to vector<16xi32>
      %sub3A_1096 = arith.subi %add3A_1093, %sub3A_1095 : vector<16xi32>
      %get3A_1097 = arith.constant 80 : index
      %get3A_1098 = tpu.vector_load %arg10[%get3A_1097] {strides = array<i32>} : memref<128xf32, #tpu.memory_space<vmem>>, vector<16xf32>,
      %get3A_1099 = vector.shape_cast %get3A_1098 : vector<16xf32> to vector<16xf32>
      %lt3A_1100 = arith.cmpf olt, %get3A_1099, %get3A_944 : vector<16xf32>
      %eq3A_1101 = arith.cmpf oeq, %get3A_1099, %get3A_944 : vector<16xf32>
      %and3A_1102 = arith.andi %ne3A_950, %eq3A_1101 : vector<16xi1>
      %or3A_1103 = arith.ori %lt3A_1100, %and3A_1102 : vector<16xi1>
      %le3A_1104 = arith.constant 16777215 : i32
      %le3A_1105 = vector.broadcast %le3A_1104 : i32 to vector<16xi32>
      %le3A_1106 = arith.cmpi sle, %sub3A_1096, %le3A_1105 : vector<16xi32>
      %and3A_1107 = arith.andi %le3A_1106, %or3A_1103 : vector<16xi1>
      %jit3A_1108 = arith.constant 1 : i32
      %jit3A_1109 = arith.constant 0 : i32
      %broadcast_in_dim3A_1110 = vector.broadcast %jit3A_1108 : i32 to vector<16xi32>
      %broadcast_in_dim3A_1111 = vector.broadcast %jit3A_1109 : i32 to vector<16xi32>
      %select_n3A_1112 = arith.select %and3A_1107, %broadcast_in_dim3A_1110, %broadcast_in_dim3A_1111 : vector<16xi1>, vector<16xi32>
      %add3A_1113 = arith.addi %add3A_1086, %select_n3A_1112 : vector<16xi32>
      %add3A_1114 = arith.constant 97 : i32
      %add3A_1115 = vector.broadcast %add3A_1114 : i32 to vector<16xi32>
      %add3A_1116 = arith.addi %iota3A, %add3A_1115 : vector<16xi32>
      %mul3A_1117 = arith.constant 256 : i32
      %mul3A_1118 = vector.broadcast %mul3A_1117 : i32 to vector<16xi32>
      %mul3A_1119 = arith.muli %add3A_1116, %mul3A_1118 : vector<16xi32>
      %add3A_1120 = arith.addi %add3A_654, %mul3A_1119 : vector<16xi32>
      %sub3A_1121 = arith.constant 1 : i32
      %sub3A_1122 = vector.broadcast %sub3A_1121 : i32 to vector<16xi32>
      %sub3A_1123 = arith.subi %add3A_1120, %sub3A_1122 : vector<16xi32>
      %get3A_1124 = arith.constant 96 : index
      %get3A_1125 = tpu.vector_load %arg10[%get3A_1124] {strides = array<i32>} : memref<128xf32, #tpu.memory_space<vmem>>, vector<16xf32>,
      %get3A_1126 = vector.shape_cast %get3A_1125 : vector<16xf32> to vector<16xf32>
      %lt3A_1127 = arith.cmpf olt, %get3A_1126, %get3A_944 : vector<16xf32>
      %eq3A_1128 = arith.cmpf oeq, %get3A_1126, %get3A_944 : vector<16xf32>
      %and3A_1129 = arith.andi %ne3A_950, %eq3A_1128 : vector<16xi1>
      %or3A_1130 = arith.ori %lt3A_1127, %and3A_1129 : vector<16xi1>
      %le3A_1131 = arith.constant 16777215 : i32
      %le3A_1132 = vector.broadcast %le3A_1131 : i32 to vector<16xi32>
      %le3A_1133 = arith.cmpi sle, %sub3A_1123, %le3A_1132 : vector<16xi32>
      %and3A_1134 = arith.andi %le3A_1133, %or3A_1130 : vector<16xi1>
      %jit3A_1135 = arith.constant 1 : i32
      %jit3A_1136 = arith.constant 0 : i32
      %broadcast_in_dim3A_1137 = vector.broadcast %jit3A_1135 : i32 to vector<16xi32>
      %broadcast_in_dim3A_1138 = vector.broadcast %jit3A_1136 : i32 to vector<16xi32>
      %select_n3A_1139 = arith.select %and3A_1134, %broadcast_in_dim3A_1137, %broadcast_in_dim3A_1138 : vector<16xi1>, vector<16xi32>
      %add3A_1140 = arith.addi %add3A_1113, %select_n3A_1139 : vector<16xi32>
      %add3A_1141 = arith.constant 113 : i32
      %add3A_1142 = vector.broadcast %add3A_1141 : i32 to vector<16xi32>
      %add3A_1143 = arith.addi %iota3A, %add3A_1142 : vector<16xi32>
      %mul3A_1144 = arith.constant 256 : i32
      %mul3A_1145 = vector.broadcast %mul3A_1144 : i32 to vector<16xi32>
      %mul3A_1146 = arith.muli %add3A_1143, %mul3A_1145 : vector<16xi32>
      %add3A_1147 = arith.addi %add3A_654, %mul3A_1146 : vector<16xi32>
      %sub3A_1148 = arith.constant 1 : i32
      %sub3A_1149 = vector.broadcast %sub3A_1148 : i32 to vector<16xi32>
      %sub3A_1150 = arith.subi %add3A_1147, %sub3A_1149 : vector<16xi32>
      %get3A_1151 = arith.constant 112 : index
      %get3A_1152 = tpu.vector_load %arg10[%get3A_1151] {strides = array<i32>} : memref<128xf32, #tpu.memory_space<vmem>>, vector<16xf32>,
      %get3A_1153 = vector.shape_cast %get3A_1152 : vector<16xf32> to vector<16xf32>
      %lt3A_1154 = arith.cmpf olt, %get3A_1153, %get3A_944 : vector<16xf32>
      %eq3A_1155 = arith.cmpf oeq, %get3A_1153, %get3A_944 : vector<16xf32>
      %and3A_1156 = arith.andi %ne3A_950, %eq3A_1155 : vector<16xi1>
      %or3A_1157 = arith.ori %lt3A_1154, %and3A_1156 : vector<16xi1>
      %le3A_1158 = arith.constant 16777215 : i32
      %le3A_1159 = vector.broadcast %le3A_1158 : i32 to vector<16xi32>
      %le3A_1160 = arith.cmpi sle, %sub3A_1150, %le3A_1159 : vector<16xi32>
      %and3A_1161 = arith.andi %le3A_1160, %or3A_1157 : vector<16xi1>
      %jit3A_1162 = arith.constant 1 : i32
      %jit3A_1163 = arith.constant 0 : i32
      %broadcast_in_dim3A_1164 = vector.broadcast %jit3A_1162 : i32 to vector<16xi32>
      %broadcast_in_dim3A_1165 = vector.broadcast %jit3A_1163 : i32 to vector<16xi32>
      %select_n3A_1166 = arith.select %and3A_1161, %broadcast_in_dim3A_1164, %broadcast_in_dim3A_1165 : vector<16xi1>, vector<16xi32>
      %add3A_1167 = arith.addi %add3A_1140, %select_n3A_1166 : vector<16xi32>
      %add3A_1168 = arith.constant 129 : i32
      %add3A_1169 = vector.broadcast %add3A_1168 : i32 to vector<16xi32>
      %add3A_1170 = arith.addi %iota3A, %add3A_1169 : vector<16xi32>
      %mul3A_1171 = arith.constant 256 : i32
      %mul3A_1172 = vector.broadcast %mul3A_1171 : i32 to vector<16xi32>
      %mul3A_1173 = arith.muli %add3A_1170, %mul3A_1172 : vector<16xi32>
      %add3A_1174 = arith.addi %add3A_654, %mul3A_1173 : vector<16xi32>
      %sub3A_1175 = arith.constant 1 : i32
      %sub3A_1176 = vector.broadcast %sub3A_1175 : i32 to vector<16xi32>
      %sub3A_1177 = arith.subi %add3A_1174, %sub3A_1176 : vector<16xi32>
      %get3A_1178 = arith.constant 0 : index
      %get3A_1179 = tpu.vector_load %arg11[%get3A_1178] {strides = array<i32>} : memref<128xf32, #tpu.memory_space<vmem>>, vector<16xf32>,
      %get3A_1180 = vector.shape_cast %get3A_1179 : vector<16xf32> to vector<16xf32>
      %lt3A_1181 = arith.cmpf olt, %get3A_1180, %get3A_944 : vector<16xf32>
      %eq3A_1182 = arith.cmpf oeq, %get3A_1180, %get3A_944 : vector<16xf32>
      %and3A_1183 = arith.andi %ne3A_950, %eq3A_1182 : vector<16xi1>
      %or3A_1184 = arith.ori %lt3A_1181, %and3A_1183 : vector<16xi1>
      %le3A_1185 = arith.constant 16777215 : i32
      %le3A_1186 = vector.broadcast %le3A_1185 : i32 to vector<16xi32>
      %le3A_1187 = arith.cmpi sle, %sub3A_1177, %le3A_1186 : vector<16xi32>
      %and3A_1188 = arith.andi %le3A_1187, %or3A_1184 : vector<16xi1>
      %jit3A_1189 = arith.constant 1 : i32
      %jit3A_1190 = arith.constant 0 : i32
      %broadcast_in_dim3A_1191 = vector.broadcast %jit3A_1189 : i32 to vector<16xi32>
      %broadcast_in_dim3A_1192 = vector.broadcast %jit3A_1190 : i32 to vector<16xi32>
      %select_n3A_1193 = arith.select %and3A_1188, %broadcast_in_dim3A_1191, %broadcast_in_dim3A_1192 : vector<16xi1>, vector<16xi32>
      %add3A_1194 = arith.addi %add3A_1167, %select_n3A_1193 : vector<16xi32>
      %add3A_1195 = arith.constant 145 : i32
      %add3A_1196 = vector.broadcast %add3A_1195 : i32 to vector<16xi32>
      %add3A_1197 = arith.addi %iota3A, %add3A_1196 : vector<16xi32>
      %mul3A_1198 = arith.constant 256 : i32
      %mul3A_1199 = vector.broadcast %mul3A_1198 : i32 to vector<16xi32>
      %mul3A_1200 = arith.muli %add3A_1197, %mul3A_1199 : vector<16xi32>
      %add3A_1201 = arith.addi %add3A_654, %mul3A_1200 : vector<16xi32>
      %sub3A_1202 = arith.constant 1 : i32
      %sub3A_1203 = vector.broadcast %sub3A_1202 : i32 to vector<16xi32>
      %sub3A_1204 = arith.subi %add3A_1201, %sub3A_1203 : vector<16xi32>
      %get3A_1205 = arith.constant 16 : index
      %get3A_1206 = tpu.vector_load %arg11[%get3A_1205] {strides = array<i32>} : memref<128xf32, #tpu.memory_space<vmem>>, vector<16xf32>,
      %get3A_1207 = vector.shape_cast %get3A_1206 : vector<16xf32> to vector<16xf32>
      %lt3A_1208 = arith.cmpf olt, %get3A_1207, %get3A_944 : vector<16xf32>
      %eq3A_1209 = arith.cmpf oeq, %get3A_1207, %get3A_944 : vector<16xf32>
      %and3A_1210 = arith.andi %ne3A_950, %eq3A_1209 : vector<16xi1>
      %or3A_1211 = arith.ori %lt3A_1208, %and3A_1210 : vector<16xi1>
      %le3A_1212 = arith.constant 16777215 : i32
      %le3A_1213 = vector.broadcast %le3A_1212 : i32 to vector<16xi32>
      %le3A_1214 = arith.cmpi sle, %sub3A_1204, %le3A_1213 : vector<16xi32>
      %and3A_1215 = arith.andi %le3A_1214, %or3A_1211 : vector<16xi1>
      %jit3A_1216 = arith.constant 1 : i32
      %jit3A_1217 = arith.constant 0 : i32
      %broadcast_in_dim3A_1218 = vector.broadcast %jit3A_1216 : i32 to vector<16xi32>
      %broadcast_in_dim3A_1219 = vector.broadcast %jit3A_1217 : i32 to vector<16xi32>
      %select_n3A_1220 = arith.select %and3A_1215, %broadcast_in_dim3A_1218, %broadcast_in_dim3A_1219 : vector<16xi1>, vector<16xi32>
      %add3A_1221 = arith.addi %add3A_1194, %select_n3A_1220 : vector<16xi32>
      %add3A_1222 = arith.constant 161 : i32
      %add3A_1223 = vector.broadcast %add3A_1222 : i32 to vector<16xi32>
      %add3A_1224 = arith.addi %iota3A, %add3A_1223 : vector<16xi32>
      %mul3A_1225 = arith.constant 256 : i32
      %mul3A_1226 = vector.broadcast %mul3A_1225 : i32 to vector<16xi32>
      %mul3A_1227 = arith.muli %add3A_1224, %mul3A_1226 : vector<16xi32>
      %add3A_1228 = arith.addi %add3A_654, %mul3A_1227 : vector<16xi32>
      %sub3A_1229 = arith.constant 1 : i32
      %sub3A_1230 = vector.broadcast %sub3A_1229 : i32 to vector<16xi32>
      %sub3A_1231 = arith.subi %add3A_1228, %sub3A_1230 : vector<16xi32>
      %get3A_1232 = arith.constant 32 : index
      %get3A_1233 = tpu.vector_load %arg11[%get3A_1232] {strides = array<i32>} : memref<128xf32, #tpu.memory_space<vmem>>, vector<16xf32>,
      %get3A_1234 = vector.shape_cast %get3A_1233 : vector<16xf32> to vector<16xf32>
      %lt3A_1235 = arith.cmpf olt, %get3A_1234, %get3A_944 : vector<16xf32>
      %eq3A_1236 = arith.cmpf oeq, %get3A_1234, %get3A_944 : vector<16xf32>
      %and3A_1237 = arith.andi %ne3A_950, %eq3A_1236 : vector<16xi1>
      %or3A_1238 = arith.ori %lt3A_1235, %and3A_1237 : vector<16xi1>
      %le3A_1239 = arith.constant 16777215 : i32
      %le3A_1240 = vector.broadcast %le3A_1239 : i32 to vector<16xi32>
      %le3A_1241 = arith.cmpi sle, %sub3A_1231, %le3A_1240 : vector<16xi32>
      %and3A_1242 = arith.andi %le3A_1241, %or3A_1238 : vector<16xi1>
      %jit3A_1243 = arith.constant 1 : i32
      %jit3A_1244 = arith.constant 0 : i32
      %broadcast_in_dim3A_1245 = vector.broadcast %jit3A_1243 : i32 to vector<16xi32>
      %broadcast_in_dim3A_1246 = vector.broadcast %jit3A_1244 : i32 to vector<16xi32>
      %select_n3A_1247 = arith.select %and3A_1242, %broadcast_in_dim3A_1245, %broadcast_in_dim3A_1246 : vector<16xi1>, vector<16xi32>
      %add3A_1248 = arith.addi %add3A_1221, %select_n3A_1247 : vector<16xi32>
      %add3A_1249 = arith.constant 177 : i32
      %add3A_1250 = vector.broadcast %add3A_1249 : i32 to vector<16xi32>
      %add3A_1251 = arith.addi %iota3A, %add3A_1250 : vector<16xi32>
      %mul3A_1252 = arith.constant 256 : i32
      %mul3A_1253 = vector.broadcast %mul3A_1252 : i32 to vector<16xi32>
      %mul3A_1254 = arith.muli %add3A_1251, %mul3A_1253 : vector<16xi32>
      %add3A_1255 = arith.addi %add3A_654, %mul3A_1254 : vector<16xi32>
      %sub3A_1256 = arith.constant 1 : i32
      %sub3A_1257 = vector.broadcast %sub3A_1256 : i32 to vector<16xi32>
      %sub3A_1258 = arith.subi %add3A_1255, %sub3A_1257 : vector<16xi32>
      %get3A_1259 = arith.constant 48 : index
      %get3A_1260 = tpu.vector_load %arg11[%get3A_1259] {strides = array<i32>} : memref<128xf32, #tpu.memory_space<vmem>>, vector<16xf32>,
      %get3A_1261 = vector.shape_cast %get3A_1260 : vector<16xf32> to vector<16xf32>
      %lt3A_1262 = arith.cmpf olt, %get3A_1261, %get3A_944 : vector<16xf32>
      %eq3A_1263 = arith.cmpf oeq, %get3A_1261, %get3A_944 : vector<16xf32>
      %and3A_1264 = arith.andi %ne3A_950, %eq3A_1263 : vector<16xi1>
      %or3A_1265 = arith.ori %lt3A_1262, %and3A_1264 : vector<16xi1>
      %le3A_1266 = arith.constant 16777215 : i32
      %le3A_1267 = vector.broadcast %le3A_1266 : i32 to vector<16xi32>
      %le3A_1268 = arith.cmpi sle, %sub3A_1258, %le3A_1267 : vector<16xi32>
      %and3A_1269 = arith.andi %le3A_1268, %or3A_1265 : vector<16xi1>
      %jit3A_1270 = arith.constant 1 : i32
      %jit3A_1271 = arith.constant 0 : i32
      %broadcast_in_dim3A_1272 = vector.broadcast %jit3A_1270 : i32 to vector<16xi32>
      %broadcast_in_dim3A_1273 = vector.broadcast %jit3A_1271 : i32 to vector<16xi32>
      %select_n3A_1274 = arith.select %and3A_1269, %broadcast_in_dim3A_1272, %broadcast_in_dim3A_1273 : vector<16xi1>, vector<16xi32>
      %add3A_1275 = arith.addi %add3A_1248, %select_n3A_1274 : vector<16xi32>
      %add3A_1276 = arith.constant 193 : i32
      %add3A_1277 = vector.broadcast %add3A_1276 : i32 to vector<16xi32>
      %add3A_1278 = arith.addi %iota3A, %add3A_1277 : vector<16xi32>
      %mul3A_1279 = arith.constant 256 : i32
      %mul3A_1280 = vector.broadcast %mul3A_1279 : i32 to vector<16xi32>
      %mul3A_1281 = arith.muli %add3A_1278, %mul3A_1280 : vector<16xi32>
      %add3A_1282 = arith.addi %add3A_654, %mul3A_1281 : vector<16xi32>
      %sub3A_1283 = arith.constant 1 : i32
      %sub3A_1284 = vector.broadcast %sub3A_1283 : i32 to vector<16xi32>
      %sub3A_1285 = arith.subi %add3A_1282, %sub3A_1284 : vector<16xi32>
      %get3A_1286 = arith.constant 64 : index
      %get3A_1287 = tpu.vector_load %arg11[%get3A_1286] {strides = array<i32>} : memref<128xf32, #tpu.memory_space<vmem>>, vector<16xf32>,
      %get3A_1288 = vector.shape_cast %get3A_1287 : vector<16xf32> to vector<16xf32>
      %lt3A_1289 = arith.cmpf olt, %get3A_1288, %get3A_944 : vector<16xf32>
      %eq3A_1290 = arith.cmpf oeq, %get3A_1288, %get3A_944 : vector<16xf32>
      %and3A_1291 = arith.andi %ne3A_950, %eq3A_1290 : vector<16xi1>
      %or3A_1292 = arith.ori %lt3A_1289, %and3A_1291 : vector<16xi1>
      %le3A_1293 = arith.constant 16777215 : i32
      %le3A_1294 = vector.broadcast %le3A_1293 : i32 to vector<16xi32>
      %le3A_1295 = arith.cmpi sle, %sub3A_1285, %le3A_1294 : vector<16xi32>
      %and3A_1296 = arith.andi %le3A_1295, %or3A_1292 : vector<16xi1>
      %jit3A_1297 = arith.constant 1 : i32
      %jit3A_1298 = arith.constant 0 : i32
      %broadcast_in_dim3A_1299 = vector.broadcast %jit3A_1297 : i32 to vector<16xi32>
      %broadcast_in_dim3A_1300 = vector.broadcast %jit3A_1298 : i32 to vector<16xi32>
      %select_n3A_1301 = arith.select %and3A_1296, %broadcast_in_dim3A_1299, %broadcast_in_dim3A_1300 : vector<16xi1>, vector<16xi32>
      %add3A_1302 = arith.addi %add3A_1275, %select_n3A_1301 : vector<16xi32>
      %add3A_1303 = arith.constant 209 : i32
      %add3A_1304 = vector.broadcast %add3A_1303 : i32 to vector<16xi32>
      %add3A_1305 = arith.addi %iota3A, %add3A_1304 : vector<16xi32>
      %mul3A_1306 = arith.constant 256 : i32
      %mul3A_1307 = vector.broadcast %mul3A_1306 : i32 to vector<16xi32>
      %mul3A_1308 = arith.muli %add3A_1305, %mul3A_1307 : vector<16xi32>
      %add3A_1309 = arith.addi %add3A_654, %mul3A_1308 : vector<16xi32>
      %sub3A_1310 = arith.constant 1 : i32
      %sub3A_1311 = vector.broadcast %sub3A_1310 : i32 to vector<16xi32>
      %sub3A_1312 = arith.subi %add3A_1309, %sub3A_1311 : vector<16xi32>
      %get3A_1313 = arith.constant 80 : index
      %get3A_1314 = tpu.vector_load %arg11[%get3A_1313] {strides = array<i32>} : memref<128xf32, #tpu.memory_space<vmem>>, vector<16xf32>,
      %get3A_1315 = vector.shape_cast %get3A_1314 : vector<16xf32> to vector<16xf32>
      %lt3A_1316 = arith.cmpf olt, %get3A_1315, %get3A_944 : vector<16xf32>
      %eq3A_1317 = arith.cmpf oeq, %get3A_1315, %get3A_944 : vector<16xf32>
      %and3A_1318 = arith.andi %ne3A_950, %eq3A_1317 : vector<16xi1>
      %or3A_1319 = arith.ori %lt3A_1316, %and3A_1318 : vector<16xi1>
      %le3A_1320 = arith.constant 16777215 : i32
      %le3A_1321 = vector.broadcast %le3A_1320 : i32 to vector<16xi32>
      %le3A_1322 = arith.cmpi sle, %sub3A_1312, %le3A_1321 : vector<16xi32>
      %and3A_1323 = arith.andi %le3A_1322, %or3A_1319 : vector<16xi1>
      %jit3A_1324 = arith.constant 1 : i32
      %jit3A_1325 = arith.constant 0 : i32
      %broadcast_in_dim3A_1326 = vector.broadcast %jit3A_1324 : i32 to vector<16xi32>
      %broadcast_in_dim3A_1327 = vector.broadcast %jit3A_1325 : i32 to vector<16xi32>
      %select_n3A_1328 = arith.select %and3A_1323, %broadcast_in_dim3A_1326, %broadcast_in_dim3A_1327 : vector<16xi1>, vector<16xi32>
      %add3A_1329 = arith.addi %add3A_1302, %select_n3A_1328 : vector<16xi32>
      %add3A_1330 = arith.constant 225 : i32
      %add3A_1331 = vector.broadcast %add3A_1330 : i32 to vector<16xi32>
      %add3A_1332 = arith.addi %iota3A, %add3A_1331 : vector<16xi32>
      %mul3A_1333 = arith.constant 256 : i32
      %mul3A_1334 = vector.broadcast %mul3A_1333 : i32 to vector<16xi32>
      %mul3A_1335 = arith.muli %add3A_1332, %mul3A_1334 : vector<16xi32>
      %add3A_1336 = arith.addi %add3A_654, %mul3A_1335 : vector<16xi32>
      %sub3A_1337 = arith.constant 1 : i32
      %sub3A_1338 = vector.broadcast %sub3A_1337 : i32 to vector<16xi32>
      %sub3A_1339 = arith.subi %add3A_1336, %sub3A_1338 : vector<16xi32>
      %get3A_1340 = arith.constant 96 : index
      %get3A_1341 = tpu.vector_load %arg11[%get3A_1340] {strides = array<i32>} : memref<128xf32, #tpu.memory_space<vmem>>, vector<16xf32>,
      %get3A_1342 = vector.shape_cast %get3A_1341 : vector<16xf32> to vector<16xf32>
      %lt3A_1343 = arith.cmpf olt, %get3A_1342, %get3A_944 : vector<16xf32>
      %eq3A_1344 = arith.cmpf oeq, %get3A_1342, %get3A_944 : vector<16xf32>
      %and3A_1345 = arith.andi %ne3A_950, %eq3A_1344 : vector<16xi1>
      %or3A_1346 = arith.ori %lt3A_1343, %and3A_1345 : vector<16xi1>
      %le3A_1347 = arith.constant 16777215 : i32
      %le3A_1348 = vector.broadcast %le3A_1347 : i32 to vector<16xi32>
      %le3A_1349 = arith.cmpi sle, %sub3A_1339, %le3A_1348 : vector<16xi32>
      %and3A_1350 = arith.andi %le3A_1349, %or3A_1346 : vector<16xi1>
      %jit3A_1351 = arith.constant 1 : i32
      %jit3A_1352 = arith.constant 0 : i32
      %broadcast_in_dim3A_1353 = vector.broadcast %jit3A_1351 : i32 to vector<16xi32>
      %broadcast_in_dim3A_1354 = vector.broadcast %jit3A_1352 : i32 to vector<16xi32>
      %select_n3A_1355 = arith.select %and3A_1350, %broadcast_in_dim3A_1353, %broadcast_in_dim3A_1354 : vector<16xi1>, vector<16xi32>
      %add3A_1356 = arith.addi %add3A_1329, %select_n3A_1355 : vector<16xi32>
      %add3A_1357 = arith.constant 241 : i32
      %add3A_1358 = vector.broadcast %add3A_1357 : i32 to vector<16xi32>
      %add3A_1359 = arith.addi %iota3A, %add3A_1358 : vector<16xi32>
      %mul3A_1360 = arith.constant 256 : i32
      %mul3A_1361 = vector.broadcast %mul3A_1360 : i32 to vector<16xi32>
      %mul3A_1362 = arith.muli %add3A_1359, %mul3A_1361 : vector<16xi32>
      %add3A_1363 = arith.addi %add3A_654, %mul3A_1362 : vector<16xi32>
      %sub3A_1364 = arith.constant 1 : i32
      %sub3A_1365 = vector.broadcast %sub3A_1364 : i32 to vector<16xi32>
      %sub3A_1366 = arith.subi %add3A_1363, %sub3A_1365 : vector<16xi32>
      %get3A_1367 = arith.constant 112 : index
      %get3A_1368 = tpu.vector_load %arg11[%get3A_1367] {strides = array<i32>} : memref<128xf32, #tpu.memory_space<vmem>>, vector<16xf32>,
      %get3A_1369 = vector.shape_cast %get3A_1368 : vector<16xf32> to vector<16xf32>
      %lt3A_1370 = arith.cmpf olt, %get3A_1369, %get3A_944 : vector<16xf32>
      %eq3A_1371 = arith.cmpf oeq, %get3A_1369, %get3A_944 : vector<16xf32>
      %and3A_1372 = arith.andi %ne3A_950, %eq3A_1371 : vector<16xi1>
      %or3A_1373 = arith.ori %lt3A_1370, %and3A_1372 : vector<16xi1>
      %le3A_1374 = arith.constant 16777215 : i32
      %le3A_1375 = vector.broadcast %le3A_1374 : i32 to vector<16xi32>
      %le3A_1376 = arith.cmpi sle, %sub3A_1366, %le3A_1375 : vector<16xi32>
      %and3A_1377 = arith.andi %le3A_1376, %or3A_1373 : vector<16xi1>
      %jit3A_1378 = arith.constant 1 : i32
      %jit3A_1379 = arith.constant 0 : i32
      %broadcast_in_dim3A_1380 = vector.broadcast %jit3A_1378 : i32 to vector<16xi32>
      %broadcast_in_dim3A_1381 = vector.broadcast %jit3A_1379 : i32 to vector<16xi32>
      %select_n3A_1382 = arith.select %and3A_1377, %broadcast_in_dim3A_1380, %broadcast_in_dim3A_1381 : vector<16xi1>, vector<16xi32>
      %add3A_1383 = arith.addi %add3A_1356, %select_n3A_1382 : vector<16xi32>
      %add3A_1384 = arith.constant 1 : i32
      %add3A_1385 = vector.broadcast %add3A_1384 : i32 to vector<16xi32>
      %add3A_1386 = arith.addi %iota3A, %add3A_1385 : vector<16xi32>
      %and3A_1387 = arith.constant 15 : i32
      %and3A_1388 = vector.broadcast %and3A_1387 : i32 to vector<16xi32>
      %and3A_1389 = arith.andi %add3A_1386, %and3A_1388 : vector<16xi32>
      %broadcast_in_dim3A_1390 = vector.shape_cast %and3A_1389 : vector<16xi32> to vector<16x1xi32>
      %gather3A_1391 = vector.shape_cast %broadcast_in_dim3A_1390 : vector<16x1xi32> to vector<16xi32>
      %gather3A_1392 = tpu.dynamic_gather %add3A_1383[%gather3A_1391] in [0] : vector<16xi32>, vector<16xi32> -> vector<16xi32>
      %add3A_1393 = arith.addi %add3A_1383, %gather3A_1392 : vector<16xi32>
      %add3A_1394 = arith.constant 2 : i32
      %add3A_1395 = vector.broadcast %add3A_1394 : i32 to vector<16xi32>
      %add3A_1396 = arith.addi %iota3A, %add3A_1395 : vector<16xi32>
      %and3A_1397 = arith.constant 15 : i32
      %and3A_1398 = vector.broadcast %and3A_1397 : i32 to vector<16xi32>
      %and3A_1399 = arith.andi %add3A_1396, %and3A_1398 : vector<16xi32>
      %broadcast_in_dim3A_1400 = vector.shape_cast %and3A_1399 : vector<16xi32> to vector<16x1xi32>
      %gather3A_1401 = vector.shape_cast %broadcast_in_dim3A_1400 : vector<16x1xi32> to vector<16xi32>
      %gather3A_1402 = tpu.dynamic_gather %add3A_1393[%gather3A_1401] in [0] : vector<16xi32>, vector<16xi32> -> vector<16xi32>
      %add3A_1403 = arith.addi %add3A_1393, %gather3A_1402 : vector<16xi32>
      %add3A_1404 = arith.constant 4 : i32
      %add3A_1405 = vector.broadcast %add3A_1404 : i32 to vector<16xi32>
      %add3A_1406 = arith.addi %iota3A, %add3A_1405 : vector<16xi32>
      %and3A_1407 = arith.constant 15 : i32
      %and3A_1408 = vector.broadcast %and3A_1407 : i32 to vector<16xi32>
      %and3A_1409 = arith.andi %add3A_1406, %and3A_1408 : vector<16xi32>
      %broadcast_in_dim3A_1410 = vector.shape_cast %and3A_1409 : vector<16xi32> to vector<16x1xi32>
      %gather3A_1411 = vector.shape_cast %broadcast_in_dim3A_1410 : vector<16x1xi32> to vector<16xi32>
      %gather3A_1412 = tpu.dynamic_gather %add3A_1403[%gather3A_1411] in [0] : vector<16xi32>, vector<16xi32> -> vector<16xi32>
      %add3A_1413 = arith.addi %add3A_1403, %gather3A_1412 : vector<16xi32>
      %add3A_1414 = arith.constant 8 : i32
      %add3A_1415 = vector.broadcast %add3A_1414 : i32 to vector<16xi32>
      %add3A_1416 = arith.addi %iota3A, %add3A_1415 : vector<16xi32>
      %and3A_1417 = arith.constant 15 : i32
      %and3A_1418 = vector.broadcast %and3A_1417 : i32 to vector<16xi32>
      %and3A_1419 = arith.andi %add3A_1416, %and3A_1418 : vector<16xi32>
      %broadcast_in_dim3A_1420 = vector.shape_cast %and3A_1419 : vector<16xi32> to vector<16x1xi32>
      %gather3A_1421 = vector.shape_cast %broadcast_in_dim3A_1420 : vector<16x1xi32> to vector<16xi32>
      %gather3A_1422 = tpu.dynamic_gather %add3A_1413[%gather3A_1421] in [0] : vector<16xi32>, vector<16xi32> -> vector<16xi32>
      %add3A_1423 = arith.addi %add3A_1413, %gather3A_1422 : vector<16xi32>
      %mul3A_1424 = arith.constant 256 : i32
      %mul3A_1425 = vector.broadcast %mul3A_1424 : i32 to vector<16xi32>
      %mul3A_1426 = arith.muli %add3A_1423, %mul3A_1425 : vector<16xi32>
      %add3A_1427 = arith.addi %add3A_654, %mul3A_1426 : vector<16xi32>
      %min3A_1428 = arith.constant 16776960 : i32
      %min3A_1429 = vector.broadcast %min3A_1428 : i32 to vector<16xi32>
      %min3A_1430 = arith.minsi %add3A_1427, %min3A_1429 : vector<16xi32>
      %slice3A = vector.extract_strided_slice %min3A_1430 {offsets = [0], sizes = [1], strides = [1]} : vector<16xi32> to vector<1xi32>
      %squeeze3A = vector.extract %slice3A[0] : i32 from vector<1xi32>
      %add3A_1431 = arith.constant 0 : i32
      %add3A_1432 = arith.addi %squeeze3A, %add3A_1431 : i32
      %multiple_of3A = tpu.assume_multiple %add3A_1432, 128 : i32
      %dma_start3A_1433 = tpu.memref_slice %arg3[%multiple_of3A] : memref<16777216xi32, #tpu.memory_space<hbm>> -> memref<128xi32, #tpu.memory_space<hbm>>
      %dma_start3A_1434 = tpu.memref_slice %arg3[%multiple_of3A] : memref<16777216xi32, #tpu.memory_space<hbm>> -> memref<128xi32, #tpu.memory_space<hbm>>
      tpu.enqueue_dma source(%dma_start3A_1434 : memref<128xi32, #tpu.memory_space<hbm>>) target(%arg8 : memref<128xi32, #tpu.memory_space<vmem>>) target_semaphore(%arg14 : memref<!tpu.dma_semaphore, #tpu.memory_space<semaphore_mem>>)
      %add3A_1435 = arith.constant 128 : i32
      %add3A_1436 = arith.addi %squeeze3A, %add3A_1435 : i32
      %multiple_of3A_1437 = tpu.assume_multiple %add3A_1436, 128 : i32
      %dma_start3A_1438 = tpu.memref_slice %arg3[%multiple_of3A_1437] : memref<16777216xi32, #tpu.memory_space<hbm>> -> memref<128xi32, #tpu.memory_space<hbm>>
      %dma_start3A_1439 = tpu.memref_slice %arg3[%multiple_of3A_1437] : memref<16777216xi32, #tpu.memory_space<hbm>> -> memref<128xi32, #tpu.memory_space<hbm>>
      tpu.enqueue_dma source(%dma_start3A_1439 : memref<128xi32, #tpu.memory_space<hbm>>) target(%arg9 : memref<128xi32, #tpu.memory_space<vmem>>) target_semaphore(%arg15 : memref<!tpu.dma_semaphore, #tpu.memory_space<semaphore_mem>>)
      %dma_wait3A_1440 = tpu.memref_slice %arg3[%multiple_of3A] : memref<16777216xi32, #tpu.memory_space<hbm>> -> memref<128xi32, #tpu.memory_space<hbm>>
      %dma_wait3A_1441 = tpu.memref_slice %arg3[%multiple_of3A] : memref<16777216xi32, #tpu.memory_space<hbm>> -> memref<128xi32, #tpu.memory_space<hbm>>
      tpu.wait_dma2 semaphore(%arg14 : memref<!tpu.dma_semaphore, #tpu.memory_space<semaphore_mem>>) src(%dma_wait3A_1441 : memref<128xi32, #tpu.memory_space<hbm>>) dst(%arg8 : memref<128xi32, #tpu.memory_space<vmem>>)
      %dma_start3A_1442 = arith.constant 0 : i32
      %dma_start3A_1443 = tpu.memref_slice %arg2[%dma_start3A_1442] : memref<16777216xf32, #tpu.memory_space<hbm>> -> memref<16777216xf32, #tpu.memory_space<hbm>>
      tpu.enqueue_indirect_dma source(%dma_start3A_1443 : memref<16777216xf32, #tpu.memory_space<hbm>>) target(%arg10 : memref<128xf32, #tpu.memory_space<vmem>>) offsets(%arg8 : memref<128xi32, #tpu.memory_space<vmem>>) semaphore(%arg16 : memref<!tpu.dma_semaphore, #tpu.memory_space<semaphore_mem>>)
      %dma_wait3A_1444 = tpu.memref_slice %arg3[%multiple_of3A_1437] : memref<16777216xi32, #tpu.memory_space<hbm>> -> memref<128xi32, #tpu.memory_space<hbm>>
      %dma_wait3A_1445 = tpu.memref_slice %arg3[%multiple_of3A_1437] : memref<16777216xi32, #tpu.memory_space<hbm>> -> memref<128xi32, #tpu.memory_space<hbm>>
      tpu.wait_dma2 semaphore(%arg15 : memref<!tpu.dma_semaphore, #tpu.memory_space<semaphore_mem>>) src(%dma_wait3A_1445 : memref<128xi32, #tpu.memory_space<hbm>>) dst(%arg9 : memref<128xi32, #tpu.memory_space<vmem>>)
      %dma_start3A_1446 = arith.constant 0 : i32
      %dma_start3A_1447 = tpu.memref_slice %arg2[%dma_start3A_1446] : memref<16777216xf32, #tpu.memory_space<hbm>> -> memref<16777216xf32, #tpu.memory_space<hbm>>
      tpu.enqueue_indirect_dma source(%dma_start3A_1447 : memref<16777216xf32, #tpu.memory_space<hbm>>) target(%arg11 : memref<128xf32, #tpu.memory_space<vmem>>) offsets(%arg9 : memref<128xi32, #tpu.memory_space<vmem>>) semaphore(%arg16 : memref<!tpu.dma_semaphore, #tpu.memory_space<semaphore_mem>>)
      %dma_wait3A_1448 = arith.constant 0 : i32
      %dma_wait3A_1449 = tpu.memref_slice %arg2[%dma_wait3A_1448] : memref<16777216xf32, #tpu.memory_space<hbm>> -> memref<16777216xf32, #tpu.memory_space<hbm>>
      tpu.wait_indirect_dma semaphore(%arg16 : memref<!tpu.dma_semaphore, #tpu.memory_space<semaphore_mem>>) src(%dma_wait3A_1449 : memref<16777216xf32, #tpu.memory_space<hbm>>) dst(%arg10 : memref<128xf32, #tpu.memory_space<vmem>>)
      %dma_wait3A_1450 = arith.constant 0 : i32
      %dma_wait3A_1451 = tpu.memref_slice %arg2[%dma_wait3A_1450] : memref<16777216xf32, #tpu.memory_space<hbm>> -> memref<16777216xf32, #tpu.memory_space<hbm>>
      tpu.wait_indirect_dma semaphore(%arg16 : memref<!tpu.dma_semaphore, #tpu.memory_space<semaphore_mem>>) src(%dma_wait3A_1451 : memref<16777216xf32, #tpu.memory_space<hbm>>) dst(%arg11 : memref<128xf32, #tpu.memory_space<vmem>>)
      %get3A_1452 = arith.constant 0 : index
      %get3A_1453 = tpu.vector_load %arg12[%get3A_1452] {strides = array<i32>} : memref<32xf32, #tpu.memory_space<vmem>>, vector<16xf32>,
      %get3A_1454 = vector.shape_cast %get3A_1453 : vector<16xf32> to vector<16xf32>
      %get3A_1455 = arith.constant 16 : index
      %get3A_1456 = tpu.vector_load %arg12[%get3A_1455] {strides = array<i32>} : memref<32xf32, #tpu.memory_space<vmem>>, vector<16xf32>,
      %get3A_1457 = vector.shape_cast %get3A_1456 : vector<16xf32> to vector<16xf32>
      %ne3A_1458 = arith.constant 0.000000e+00 : f32
      %ne3A_1459 = vector.broadcast %ne3A_1458 : f32 to vector<16xf32>
      %ne3A_1460 = arith.cmpf one, %get3A_1457, %ne3A_1459 : vector<16xf32>
      %broadcast_in_dim3A_1461 = arith.constant 0 : i32
      %broadcast_in_dim3A_1462 = vector.broadcast %broadcast_in_dim3A_1461 : i32 to vector<16xi32>
      %add3A_1463 = arith.constant 1 : i32
      %add3A_1464 = vector.broadcast %add3A_1463 : i32 to vector<16xi32>
      %add3A_1465 = arith.addi %iota3A, %add3A_1464 : vector<16xi32>
      %mul3A_1466 = arith.constant 1 : i32
      %mul3A_1467 = vector.broadcast %mul3A_1466 : i32 to vector<16xi32>
      %mul3A_1468 = arith.muli %add3A_1465, %mul3A_1467 : vector<16xi32>
      %add3A_1469 = arith.addi %add3A_1427, %mul3A_1468 : vector<16xi32>
      %sub3A_1470 = arith.constant 1 : i32
      %sub3A_1471 = vector.broadcast %sub3A_1470 : i32 to vector<16xi32>
      %sub3A_1472 = arith.subi %add3A_1469, %sub3A_1471 : vector<16xi32>
      %get3A_1473 = arith.constant 0 : index
      %get3A_1474 = tpu.vector_load %arg10[%get3A_1473] {strides = array<i32>} : memref<128xf32, #tpu.memory_space<vmem>>, vector<16xf32>,
      %get3A_1475 = vector.shape_cast %get3A_1474 : vector<16xf32> to vector<16xf32>
      %lt3A_1476 = arith.cmpf olt, %get3A_1475, %get3A_1454 : vector<16xf32>
      %eq3A_1477 = arith.cmpf oeq, %get3A_1475, %get3A_1454 : vector<16xf32>
      %and3A_1478 = arith.andi %ne3A_1460, %eq3A_1477 : vector<16xi1>
      %or3A_1479 = arith.ori %lt3A_1476, %and3A_1478 : vector<16xi1>
      %le3A_1480 = arith.constant 16777215 : i32
      %le3A_1481 = vector.broadcast %le3A_1480 : i32 to vector<16xi32>
      %le3A_1482 = arith.cmpi sle, %sub3A_1472, %le3A_1481 : vector<16xi32>
      %and3A_1483 = arith.andi %le3A_1482, %or3A_1479 : vector<16xi1>
      %jit3A_1484 = arith.constant 1 : i32
      %jit3A_1485 = arith.constant 0 : i32
      %broadcast_in_dim3A_1486 = vector.broadcast %jit3A_1484 : i32 to vector<16xi32>
      %broadcast_in_dim3A_1487 = vector.broadcast %jit3A_1485 : i32 to vector<16xi32>
      %select_n3A_1488 = arith.select %and3A_1483, %broadcast_in_dim3A_1486, %broadcast_in_dim3A_1487 : vector<16xi1>, vector<16xi32>
      %add3A_1489 = arith.addi %broadcast_in_dim3A_1462, %select_n3A_1488 : vector<16xi32>
      %add3A_1490 = arith.constant 17 : i32
      %add3A_1491 = vector.broadcast %add3A_1490 : i32 to vector<16xi32>
      %add3A_1492 = arith.addi %iota3A, %add3A_1491 : vector<16xi32>
      %mul3A_1493 = arith.constant 1 : i32
      %mul3A_1494 = vector.broadcast %mul3A_1493 : i32 to vector<16xi32>
      %mul3A_1495 = arith.muli %add3A_1492, %mul3A_1494 : vector<16xi32>
      %add3A_1496 = arith.addi %add3A_1427, %mul3A_1495 : vector<16xi32>
      %sub3A_1497 = arith.constant 1 : i32
      %sub3A_1498 = vector.broadcast %sub3A_1497 : i32 to vector<16xi32>
      %sub3A_1499 = arith.subi %add3A_1496, %sub3A_1498 : vector<16xi32>
      %get3A_1500 = arith.constant 16 : index
      %get3A_1501 = tpu.vector_load %arg10[%get3A_1500] {strides = array<i32>} : memref<128xf32, #tpu.memory_space<vmem>>, vector<16xf32>,
      %get3A_1502 = vector.shape_cast %get3A_1501 : vector<16xf32> to vector<16xf32>
      %lt3A_1503 = arith.cmpf olt, %get3A_1502, %get3A_1454 : vector<16xf32>
      %eq3A_1504 = arith.cmpf oeq, %get3A_1502, %get3A_1454 : vector<16xf32>
      %and3A_1505 = arith.andi %ne3A_1460, %eq3A_1504 : vector<16xi1>
      %or3A_1506 = arith.ori %lt3A_1503, %and3A_1505 : vector<16xi1>
      %le3A_1507 = arith.constant 16777215 : i32
      %le3A_1508 = vector.broadcast %le3A_1507 : i32 to vector<16xi32>
      %le3A_1509 = arith.cmpi sle, %sub3A_1499, %le3A_1508 : vector<16xi32>
      %and3A_1510 = arith.andi %le3A_1509, %or3A_1506 : vector<16xi1>
      %jit3A_1511 = arith.constant 1 : i32
      %jit3A_1512 = arith.constant 0 : i32
      %broadcast_in_dim3A_1513 = vector.broadcast %jit3A_1511 : i32 to vector<16xi32>
      %broadcast_in_dim3A_1514 = vector.broadcast %jit3A_1512 : i32 to vector<16xi32>
      %select_n3A_1515 = arith.select %and3A_1510, %broadcast_in_dim3A_1513, %broadcast_in_dim3A_1514 : vector<16xi1>, vector<16xi32>
      %add3A_1516 = arith.addi %add3A_1489, %select_n3A_1515 : vector<16xi32>
      %add3A_1517 = arith.constant 33 : i32
      %add3A_1518 = vector.broadcast %add3A_1517 : i32 to vector<16xi32>
      %add3A_1519 = arith.addi %iota3A, %add3A_1518 : vector<16xi32>
      %mul3A_1520 = arith.constant 1 : i32
      %mul3A_1521 = vector.broadcast %mul3A_1520 : i32 to vector<16xi32>
      %mul3A_1522 = arith.muli %add3A_1519, %mul3A_1521 : vector<16xi32>
      %add3A_1523 = arith.addi %add3A_1427, %mul3A_1522 : vector<16xi32>
      %sub3A_1524 = arith.constant 1 : i32
      %sub3A_1525 = vector.broadcast %sub3A_1524 : i32 to vector<16xi32>
      %sub3A_1526 = arith.subi %add3A_1523, %sub3A_1525 : vector<16xi32>
      %get3A_1527 = arith.constant 32 : index
      %get3A_1528 = tpu.vector_load %arg10[%get3A_1527] {strides = array<i32>} : memref<128xf32, #tpu.memory_space<vmem>>, vector<16xf32>,
      %get3A_1529 = vector.shape_cast %get3A_1528 : vector<16xf32> to vector<16xf32>
      %lt3A_1530 = arith.cmpf olt, %get3A_1529, %get3A_1454 : vector<16xf32>
      %eq3A_1531 = arith.cmpf oeq, %get3A_1529, %get3A_1454 : vector<16xf32>
      %and3A_1532 = arith.andi %ne3A_1460, %eq3A_1531 : vector<16xi1>
      %or3A_1533 = arith.ori %lt3A_1530, %and3A_1532 : vector<16xi1>
      %le3A_1534 = arith.constant 16777215 : i32
      %le3A_1535 = vector.broadcast %le3A_1534 : i32 to vector<16xi32>
      %le3A_1536 = arith.cmpi sle, %sub3A_1526, %le3A_1535 : vector<16xi32>
      %and3A_1537 = arith.andi %le3A_1536, %or3A_1533 : vector<16xi1>
      %jit3A_1538 = arith.constant 1 : i32
      %jit3A_1539 = arith.constant 0 : i32
      %broadcast_in_dim3A_1540 = vector.broadcast %jit3A_1538 : i32 to vector<16xi32>
      %broadcast_in_dim3A_1541 = vector.broadcast %jit3A_1539 : i32 to vector<16xi32>
      %select_n3A_1542 = arith.select %and3A_1537, %broadcast_in_dim3A_1540, %broadcast_in_dim3A_1541 : vector<16xi1>, vector<16xi32>
      %add3A_1543 = arith.addi %add3A_1516, %select_n3A_1542 : vector<16xi32>
      %add3A_1544 = arith.constant 49 : i32
      %add3A_1545 = vector.broadcast %add3A_1544 : i32 to vector<16xi32>
      %add3A_1546 = arith.addi %iota3A, %add3A_1545 : vector<16xi32>
      %mul3A_1547 = arith.constant 1 : i32
      %mul3A_1548 = vector.broadcast %mul3A_1547 : i32 to vector<16xi32>
      %mul3A_1549 = arith.muli %add3A_1546, %mul3A_1548 : vector<16xi32>
      %add3A_1550 = arith.addi %add3A_1427, %mul3A_1549 : vector<16xi32>
      %sub3A_1551 = arith.constant 1 : i32
      %sub3A_1552 = vector.broadcast %sub3A_1551 : i32 to vector<16xi32>
      %sub3A_1553 = arith.subi %add3A_1550, %sub3A_1552 : vector<16xi32>
      %get3A_1554 = arith.constant 48 : index
      %get3A_1555 = tpu.vector_load %arg10[%get3A_1554] {strides = array<i32>} : memref<128xf32, #tpu.memory_space<vmem>>, vector<16xf32>,
      %get3A_1556 = vector.shape_cast %get3A_1555 : vector<16xf32> to vector<16xf32>
      %lt3A_1557 = arith.cmpf olt, %get3A_1556, %get3A_1454 : vector<16xf32>
      %eq3A_1558 = arith.cmpf oeq, %get3A_1556, %get3A_1454 : vector<16xf32>
      %and3A_1559 = arith.andi %ne3A_1460, %eq3A_1558 : vector<16xi1>
      %or3A_1560 = arith.ori %lt3A_1557, %and3A_1559 : vector<16xi1>
      %le3A_1561 = arith.constant 16777215 : i32
      %le3A_1562 = vector.broadcast %le3A_1561 : i32 to vector<16xi32>
      %le3A_1563 = arith.cmpi sle, %sub3A_1553, %le3A_1562 : vector<16xi32>
      %and3A_1564 = arith.andi %le3A_1563, %or3A_1560 : vector<16xi1>
      %jit3A_1565 = arith.constant 1 : i32
      %jit3A_1566 = arith.constant 0 : i32
      %broadcast_in_dim3A_1567 = vector.broadcast %jit3A_1565 : i32 to vector<16xi32>
      %broadcast_in_dim3A_1568 = vector.broadcast %jit3A_1566 : i32 to vector<16xi32>
      %select_n3A_1569 = arith.select %and3A_1564, %broadcast_in_dim3A_1567, %broadcast_in_dim3A_1568 : vector<16xi1>, vector<16xi32>
      %add3A_1570 = arith.addi %add3A_1543, %select_n3A_1569 : vector<16xi32>
      %add3A_1571 = arith.constant 65 : i32
      %add3A_1572 = vector.broadcast %add3A_1571 : i32 to vector<16xi32>
      %add3A_1573 = arith.addi %iota3A, %add3A_1572 : vector<16xi32>
      %mul3A_1574 = arith.constant 1 : i32
      %mul3A_1575 = vector.broadcast %mul3A_1574 : i32 to vector<16xi32>
      %mul3A_1576 = arith.muli %add3A_1573, %mul3A_1575 : vector<16xi32>
      %add3A_1577 = arith.addi %add3A_1427, %mul3A_1576 : vector<16xi32>
      %sub3A_1578 = arith.constant 1 : i32
      %sub3A_1579 = vector.broadcast %sub3A_1578 : i32 to vector<16xi32>
      %sub3A_1580 = arith.subi %add3A_1577, %sub3A_1579 : vector<16xi32>
      %get3A_1581 = arith.constant 64 : index
      %get3A_1582 = tpu.vector_load %arg10[%get3A_1581] {strides = array<i32>} : memref<128xf32, #tpu.memory_space<vmem>>, vector<16xf32>,
      %get3A_1583 = vector.shape_cast %get3A_1582 : vector<16xf32> to vector<16xf32>
      %lt3A_1584 = arith.cmpf olt, %get3A_1583, %get3A_1454 : vector<16xf32>
      %eq3A_1585 = arith.cmpf oeq, %get3A_1583, %get3A_1454 : vector<16xf32>
      %and3A_1586 = arith.andi %ne3A_1460, %eq3A_1585 : vector<16xi1>
      %or3A_1587 = arith.ori %lt3A_1584, %and3A_1586 : vector<16xi1>
      %le3A_1588 = arith.constant 16777215 : i32
      %le3A_1589 = vector.broadcast %le3A_1588 : i32 to vector<16xi32>
      %le3A_1590 = arith.cmpi sle, %sub3A_1580, %le3A_1589 : vector<16xi32>
      %and3A_1591 = arith.andi %le3A_1590, %or3A_1587 : vector<16xi1>
      %jit3A_1592 = arith.constant 1 : i32
      %jit3A_1593 = arith.constant 0 : i32
      %broadcast_in_dim3A_1594 = vector.broadcast %jit3A_1592 : i32 to vector<16xi32>
      %broadcast_in_dim3A_1595 = vector.broadcast %jit3A_1593 : i32 to vector<16xi32>
      %select_n3A_1596 = arith.select %and3A_1591, %broadcast_in_dim3A_1594, %broadcast_in_dim3A_1595 : vector<16xi1>, vector<16xi32>
      %add3A_1597 = arith.addi %add3A_1570, %select_n3A_1596 : vector<16xi32>
      %add3A_1598 = arith.constant 81 : i32
      %add3A_1599 = vector.broadcast %add3A_1598 : i32 to vector<16xi32>
      %add3A_1600 = arith.addi %iota3A, %add3A_1599 : vector<16xi32>
      %mul3A_1601 = arith.constant 1 : i32
      %mul3A_1602 = vector.broadcast %mul3A_1601 : i32 to vector<16xi32>
      %mul3A_1603 = arith.muli %add3A_1600, %mul3A_1602 : vector<16xi32>
      %add3A_1604 = arith.addi %add3A_1427, %mul3A_1603 : vector<16xi32>
      %sub3A_1605 = arith.constant 1 : i32
      %sub3A_1606 = vector.broadcast %sub3A_1605 : i32 to vector<16xi32>
      %sub3A_1607 = arith.subi %add3A_1604, %sub3A_1606 : vector<16xi32>
      %get3A_1608 = arith.constant 80 : index
      %get3A_1609 = tpu.vector_load %arg10[%get3A_1608] {strides = array<i32>} : memref<128xf32, #tpu.memory_space<vmem>>, vector<16xf32>,
      %get3A_1610 = vector.shape_cast %get3A_1609 : vector<16xf32> to vector<16xf32>
      %lt3A_1611 = arith.cmpf olt, %get3A_1610, %get3A_1454 : vector<16xf32>
      %eq3A_1612 = arith.cmpf oeq, %get3A_1610, %get3A_1454 : vector<16xf32>
      %and3A_1613 = arith.andi %ne3A_1460, %eq3A_1612 : vector<16xi1>
      %or3A_1614 = arith.ori %lt3A_1611, %and3A_1613 : vector<16xi1>
      %le3A_1615 = arith.constant 16777215 : i32
      %le3A_1616 = vector.broadcast %le3A_1615 : i32 to vector<16xi32>
      %le3A_1617 = arith.cmpi sle, %sub3A_1607, %le3A_1616 : vector<16xi32>
      %and3A_1618 = arith.andi %le3A_1617, %or3A_1614 : vector<16xi1>
      %jit3A_1619 = arith.constant 1 : i32
      %jit3A_1620 = arith.constant 0 : i32
      %broadcast_in_dim3A_1621 = vector.broadcast %jit3A_1619 : i32 to vector<16xi32>
      %broadcast_in_dim3A_1622 = vector.broadcast %jit3A_1620 : i32 to vector<16xi32>
      %select_n3A_1623 = arith.select %and3A_1618, %broadcast_in_dim3A_1621, %broadcast_in_dim3A_1622 : vector<16xi1>, vector<16xi32>
      %add3A_1624 = arith.addi %add3A_1597, %select_n3A_1623 : vector<16xi32>
      %add3A_1625 = arith.constant 97 : i32
      %add3A_1626 = vector.broadcast %add3A_1625 : i32 to vector<16xi32>
      %add3A_1627 = arith.addi %iota3A, %add3A_1626 : vector<16xi32>
      %mul3A_1628 = arith.constant 1 : i32
      %mul3A_1629 = vector.broadcast %mul3A_1628 : i32 to vector<16xi32>
      %mul3A_1630 = arith.muli %add3A_1627, %mul3A_1629 : vector<16xi32>
      %add3A_1631 = arith.addi %add3A_1427, %mul3A_1630 : vector<16xi32>
      %sub3A_1632 = arith.constant 1 : i32
      %sub3A_1633 = vector.broadcast %sub3A_1632 : i32 to vector<16xi32>
      %sub3A_1634 = arith.subi %add3A_1631, %sub3A_1633 : vector<16xi32>
      %get3A_1635 = arith.constant 96 : index
      %get3A_1636 = tpu.vector_load %arg10[%get3A_1635] {strides = array<i32>} : memref<128xf32, #tpu.memory_space<vmem>>, vector<16xf32>,
      %get3A_1637 = vector.shape_cast %get3A_1636 : vector<16xf32> to vector<16xf32>
      %lt3A_1638 = arith.cmpf olt, %get3A_1637, %get3A_1454 : vector<16xf32>
      %eq3A_1639 = arith.cmpf oeq, %get3A_1637, %get3A_1454 : vector<16xf32>
      %and3A_1640 = arith.andi %ne3A_1460, %eq3A_1639 : vector<16xi1>
      %or3A_1641 = arith.ori %lt3A_1638, %and3A_1640 : vector<16xi1>
      %le3A_1642 = arith.constant 16777215 : i32
      %le3A_1643 = vector.broadcast %le3A_1642 : i32 to vector<16xi32>
      %le3A_1644 = arith.cmpi sle, %sub3A_1634, %le3A_1643 : vector<16xi32>
      %and3A_1645 = arith.andi %le3A_1644, %or3A_1641 : vector<16xi1>
      %jit3A_1646 = arith.constant 1 : i32
      %jit3A_1647 = arith.constant 0 : i32
      %broadcast_in_dim3A_1648 = vector.broadcast %jit3A_1646 : i32 to vector<16xi32>
      %broadcast_in_dim3A_1649 = vector.broadcast %jit3A_1647 : i32 to vector<16xi32>
      %select_n3A_1650 = arith.select %and3A_1645, %broadcast_in_dim3A_1648, %broadcast_in_dim3A_1649 : vector<16xi1>, vector<16xi32>
      %add3A_1651 = arith.addi %add3A_1624, %select_n3A_1650 : vector<16xi32>
      %add3A_1652 = arith.constant 113 : i32
      %add3A_1653 = vector.broadcast %add3A_1652 : i32 to vector<16xi32>
      %add3A_1654 = arith.addi %iota3A, %add3A_1653 : vector<16xi32>
      %mul3A_1655 = arith.constant 1 : i32
      %mul3A_1656 = vector.broadcast %mul3A_1655 : i32 to vector<16xi32>
      %mul3A_1657 = arith.muli %add3A_1654, %mul3A_1656 : vector<16xi32>
      %add3A_1658 = arith.addi %add3A_1427, %mul3A_1657 : vector<16xi32>
      %sub3A_1659 = arith.constant 1 : i32
      %sub3A_1660 = vector.broadcast %sub3A_1659 : i32 to vector<16xi32>
      %sub3A_1661 = arith.subi %add3A_1658, %sub3A_1660 : vector<16xi32>
      %get3A_1662 = arith.constant 112 : index
      %get3A_1663 = tpu.vector_load %arg10[%get3A_1662] {strides = array<i32>} : memref<128xf32, #tpu.memory_space<vmem>>, vector<16xf32>,
      %get3A_1664 = vector.shape_cast %get3A_1663 : vector<16xf32> to vector<16xf32>
      %lt3A_1665 = arith.cmpf olt, %get3A_1664, %get3A_1454 : vector<16xf32>
      %eq3A_1666 = arith.cmpf oeq, %get3A_1664, %get3A_1454 : vector<16xf32>
      %and3A_1667 = arith.andi %ne3A_1460, %eq3A_1666 : vector<16xi1>
      %or3A_1668 = arith.ori %lt3A_1665, %and3A_1667 : vector<16xi1>
      %le3A_1669 = arith.constant 16777215 : i32
      %le3A_1670 = vector.broadcast %le3A_1669 : i32 to vector<16xi32>
      %le3A_1671 = arith.cmpi sle, %sub3A_1661, %le3A_1670 : vector<16xi32>
      %and3A_1672 = arith.andi %le3A_1671, %or3A_1668 : vector<16xi1>
      %jit3A_1673 = arith.constant 1 : i32
      %jit3A_1674 = arith.constant 0 : i32
      %broadcast_in_dim3A_1675 = vector.broadcast %jit3A_1673 : i32 to vector<16xi32>
      %broadcast_in_dim3A_1676 = vector.broadcast %jit3A_1674 : i32 to vector<16xi32>
      %select_n3A_1677 = arith.select %and3A_1672, %broadcast_in_dim3A_1675, %broadcast_in_dim3A_1676 : vector<16xi1>, vector<16xi32>
      %add3A_1678 = arith.addi %add3A_1651, %select_n3A_1677 : vector<16xi32>
      %add3A_1679 = arith.constant 129 : i32
      %add3A_1680 = vector.broadcast %add3A_1679 : i32 to vector<16xi32>
      %add3A_1681 = arith.addi %iota3A, %add3A_1680 : vector<16xi32>
      %mul3A_1682 = arith.constant 1 : i32
      %mul3A_1683 = vector.broadcast %mul3A_1682 : i32 to vector<16xi32>
      %mul3A_1684 = arith.muli %add3A_1681, %mul3A_1683 : vector<16xi32>
      %add3A_1685 = arith.addi %add3A_1427, %mul3A_1684 : vector<16xi32>
      %sub3A_1686 = arith.constant 1 : i32
      %sub3A_1687 = vector.broadcast %sub3A_1686 : i32 to vector<16xi32>
      %sub3A_1688 = arith.subi %add3A_1685, %sub3A_1687 : vector<16xi32>
      %get3A_1689 = arith.constant 0 : index
      %get3A_1690 = tpu.vector_load %arg11[%get3A_1689] {strides = array<i32>} : memref<128xf32, #tpu.memory_space<vmem>>, vector<16xf32>,
      %get3A_1691 = vector.shape_cast %get3A_1690 : vector<16xf32> to vector<16xf32>
      %lt3A_1692 = arith.cmpf olt, %get3A_1691, %get3A_1454 : vector<16xf32>
      %eq3A_1693 = arith.cmpf oeq, %get3A_1691, %get3A_1454 : vector<16xf32>
      %and3A_1694 = arith.andi %ne3A_1460, %eq3A_1693 : vector<16xi1>
      %or3A_1695 = arith.ori %lt3A_1692, %and3A_1694 : vector<16xi1>
      %le3A_1696 = arith.constant 16777215 : i32
      %le3A_1697 = vector.broadcast %le3A_1696 : i32 to vector<16xi32>
      %le3A_1698 = arith.cmpi sle, %sub3A_1688, %le3A_1697 : vector<16xi32>
      %and3A_1699 = arith.andi %le3A_1698, %or3A_1695 : vector<16xi1>
      %jit3A_1700 = arith.constant 1 : i32
      %jit3A_1701 = arith.constant 0 : i32
      %broadcast_in_dim3A_1702 = vector.broadcast %jit3A_1700 : i32 to vector<16xi32>
      %broadcast_in_dim3A_1703 = vector.broadcast %jit3A_1701 : i32 to vector<16xi32>
      %select_n3A_1704 = arith.select %and3A_1699, %broadcast_in_dim3A_1702, %broadcast_in_dim3A_1703 : vector<16xi1>, vector<16xi32>
      %add3A_1705 = arith.addi %add3A_1678, %select_n3A_1704 : vector<16xi32>
      %add3A_1706 = arith.constant 145 : i32
      %add3A_1707 = vector.broadcast %add3A_1706 : i32 to vector<16xi32>
      %add3A_1708 = arith.addi %iota3A, %add3A_1707 : vector<16xi32>
      %mul3A_1709 = arith.constant 1 : i32
      %mul3A_1710 = vector.broadcast %mul3A_1709 : i32 to vector<16xi32>
      %mul3A_1711 = arith.muli %add3A_1708, %mul3A_1710 : vector<16xi32>
      %add3A_1712 = arith.addi %add3A_1427, %mul3A_1711 : vector<16xi32>
      %sub3A_1713 = arith.constant 1 : i32
      %sub3A_1714 = vector.broadcast %sub3A_1713 : i32 to vector<16xi32>
      %sub3A_1715 = arith.subi %add3A_1712, %sub3A_1714 : vector<16xi32>
      %get3A_1716 = arith.constant 16 : index
      %get3A_1717 = tpu.vector_load %arg11[%get3A_1716] {strides = array<i32>} : memref<128xf32, #tpu.memory_space<vmem>>, vector<16xf32>,
      %get3A_1718 = vector.shape_cast %get3A_1717 : vector<16xf32> to vector<16xf32>
      %lt3A_1719 = arith.cmpf olt, %get3A_1718, %get3A_1454 : vector<16xf32>
      %eq3A_1720 = arith.cmpf oeq, %get3A_1718, %get3A_1454 : vector<16xf32>
      %and3A_1721 = arith.andi %ne3A_1460, %eq3A_1720 : vector<16xi1>
      %or3A_1722 = arith.ori %lt3A_1719, %and3A_1721 : vector<16xi1>
      %le3A_1723 = arith.constant 16777215 : i32
      %le3A_1724 = vector.broadcast %le3A_1723 : i32 to vector<16xi32>
      %le3A_1725 = arith.cmpi sle, %sub3A_1715, %le3A_1724 : vector<16xi32>
      %and3A_1726 = arith.andi %le3A_1725, %or3A_1722 : vector<16xi1>
      %jit3A_1727 = arith.constant 1 : i32
      %jit3A_1728 = arith.constant 0 : i32
      %broadcast_in_dim3A_1729 = vector.broadcast %jit3A_1727 : i32 to vector<16xi32>
      %broadcast_in_dim3A_1730 = vector.broadcast %jit3A_1728 : i32 to vector<16xi32>
      %select_n3A_1731 = arith.select %and3A_1726, %broadcast_in_dim3A_1729, %broadcast_in_dim3A_1730 : vector<16xi1>, vector<16xi32>
      %add3A_1732 = arith.addi %add3A_1705, %select_n3A_1731 : vector<16xi32>
      %add3A_1733 = arith.constant 161 : i32
      %add3A_1734 = vector.broadcast %add3A_1733 : i32 to vector<16xi32>
      %add3A_1735 = arith.addi %iota3A, %add3A_1734 : vector<16xi32>
      %mul3A_1736 = arith.constant 1 : i32
      %mul3A_1737 = vector.broadcast %mul3A_1736 : i32 to vector<16xi32>
      %mul3A_1738 = arith.muli %add3A_1735, %mul3A_1737 : vector<16xi32>
      %add3A_1739 = arith.addi %add3A_1427, %mul3A_1738 : vector<16xi32>
      %sub3A_1740 = arith.constant 1 : i32
      %sub3A_1741 = vector.broadcast %sub3A_1740 : i32 to vector<16xi32>
      %sub3A_1742 = arith.subi %add3A_1739, %sub3A_1741 : vector<16xi32>
      %get3A_1743 = arith.constant 32 : index
      %get3A_1744 = tpu.vector_load %arg11[%get3A_1743] {strides = array<i32>} : memref<128xf32, #tpu.memory_space<vmem>>, vector<16xf32>,
      %get3A_1745 = vector.shape_cast %get3A_1744 : vector<16xf32> to vector<16xf32>
      %lt3A_1746 = arith.cmpf olt, %get3A_1745, %get3A_1454 : vector<16xf32>
      %eq3A_1747 = arith.cmpf oeq, %get3A_1745, %get3A_1454 : vector<16xf32>
      %and3A_1748 = arith.andi %ne3A_1460, %eq3A_1747 : vector<16xi1>
      %or3A_1749 = arith.ori %lt3A_1746, %and3A_1748 : vector<16xi1>
      %le3A_1750 = arith.constant 16777215 : i32
      %le3A_1751 = vector.broadcast %le3A_1750 : i32 to vector<16xi32>
      %le3A_1752 = arith.cmpi sle, %sub3A_1742, %le3A_1751 : vector<16xi32>
      %and3A_1753 = arith.andi %le3A_1752, %or3A_1749 : vector<16xi1>
      %jit3A_1754 = arith.constant 1 : i32
      %jit3A_1755 = arith.constant 0 : i32
      %broadcast_in_dim3A_1756 = vector.broadcast %jit3A_1754 : i32 to vector<16xi32>
      %broadcast_in_dim3A_1757 = vector.broadcast %jit3A_1755 : i32 to vector<16xi32>
      %select_n3A_1758 = arith.select %and3A_1753, %broadcast_in_dim3A_1756, %broadcast_in_dim3A_1757 : vector<16xi1>, vector<16xi32>
      %add3A_1759 = arith.addi %add3A_1732, %select_n3A_1758 : vector<16xi32>
      %add3A_1760 = arith.constant 177 : i32
      %add3A_1761 = vector.broadcast %add3A_1760 : i32 to vector<16xi32>
      %add3A_1762 = arith.addi %iota3A, %add3A_1761 : vector<16xi32>
      %mul3A_1763 = arith.constant 1 : i32
      %mul3A_1764 = vector.broadcast %mul3A_1763 : i32 to vector<16xi32>
      %mul3A_1765 = arith.muli %add3A_1762, %mul3A_1764 : vector<16xi32>
      %add3A_1766 = arith.addi %add3A_1427, %mul3A_1765 : vector<16xi32>
      %sub3A_1767 = arith.constant 1 : i32
      %sub3A_1768 = vector.broadcast %sub3A_1767 : i32 to vector<16xi32>
      %sub3A_1769 = arith.subi %add3A_1766, %sub3A_1768 : vector<16xi32>
      %get3A_1770 = arith.constant 48 : index
      %get3A_1771 = tpu.vector_load %arg11[%get3A_1770] {strides = array<i32>} : memref<128xf32, #tpu.memory_space<vmem>>, vector<16xf32>,
      %get3A_1772 = vector.shape_cast %get3A_1771 : vector<16xf32> to vector<16xf32>
      %lt3A_1773 = arith.cmpf olt, %get3A_1772, %get3A_1454 : vector<16xf32>
      %eq3A_1774 = arith.cmpf oeq, %get3A_1772, %get3A_1454 : vector<16xf32>
      %and3A_1775 = arith.andi %ne3A_1460, %eq3A_1774 : vector<16xi1>
      %or3A_1776 = arith.ori %lt3A_1773, %and3A_1775 : vector<16xi1>
      %le3A_1777 = arith.constant 16777215 : i32
      %le3A_1778 = vector.broadcast %le3A_1777 : i32 to vector<16xi32>
      %le3A_1779 = arith.cmpi sle, %sub3A_1769, %le3A_1778 : vector<16xi32>
      %and3A_1780 = arith.andi %le3A_1779, %or3A_1776 : vector<16xi1>
      %jit3A_1781 = arith.constant 1 : i32
      %jit3A_1782 = arith.constant 0 : i32
      %broadcast_in_dim3A_1783 = vector.broadcast %jit3A_1781 : i32 to vector<16xi32>
      %broadcast_in_dim3A_1784 = vector.broadcast %jit3A_1782 : i32 to vector<16xi32>
      %select_n3A_1785 = arith.select %and3A_1780, %broadcast_in_dim3A_1783, %broadcast_in_dim3A_1784 : vector<16xi1>, vector<16xi32>
      %add3A_1786 = arith.addi %add3A_1759, %select_n3A_1785 : vector<16xi32>
      %add3A_1787 = arith.constant 193 : i32
      %add3A_1788 = vector.broadcast %add3A_1787 : i32 to vector<16xi32>
      %add3A_1789 = arith.addi %iota3A, %add3A_1788 : vector<16xi32>
      %mul3A_1790 = arith.constant 1 : i32
      %mul3A_1791 = vector.broadcast %mul3A_1790 : i32 to vector<16xi32>
      %mul3A_1792 = arith.muli %add3A_1789, %mul3A_1791 : vector<16xi32>
      %add3A_1793 = arith.addi %add3A_1427, %mul3A_1792 : vector<16xi32>
      %sub3A_1794 = arith.constant 1 : i32
      %sub3A_1795 = vector.broadcast %sub3A_1794 : i32 to vector<16xi32>
      %sub3A_1796 = arith.subi %add3A_1793, %sub3A_1795 : vector<16xi32>
      %get3A_1797 = arith.constant 64 : index
      %get3A_1798 = tpu.vector_load %arg11[%get3A_1797] {strides = array<i32>} : memref<128xf32, #tpu.memory_space<vmem>>, vector<16xf32>,
      %get3A_1799 = vector.shape_cast %get3A_1798 : vector<16xf32> to vector<16xf32>
      %lt3A_1800 = arith.cmpf olt, %get3A_1799, %get3A_1454 : vector<16xf32>
      %eq3A_1801 = arith.cmpf oeq, %get3A_1799, %get3A_1454 : vector<16xf32>
      %and3A_1802 = arith.andi %ne3A_1460, %eq3A_1801 : vector<16xi1>
      %or3A_1803 = arith.ori %lt3A_1800, %and3A_1802 : vector<16xi1>
      %le3A_1804 = arith.constant 16777215 : i32
      %le3A_1805 = vector.broadcast %le3A_1804 : i32 to vector<16xi32>
      %le3A_1806 = arith.cmpi sle, %sub3A_1796, %le3A_1805 : vector<16xi32>
      %and3A_1807 = arith.andi %le3A_1806, %or3A_1803 : vector<16xi1>
      %jit3A_1808 = arith.constant 1 : i32
      %jit3A_1809 = arith.constant 0 : i32
      %broadcast_in_dim3A_1810 = vector.broadcast %jit3A_1808 : i32 to vector<16xi32>
      %broadcast_in_dim3A_1811 = vector.broadcast %jit3A_1809 : i32 to vector<16xi32>
      %select_n3A_1812 = arith.select %and3A_1807, %broadcast_in_dim3A_1810, %broadcast_in_dim3A_1811 : vector<16xi1>, vector<16xi32>
      %add3A_1813 = arith.addi %add3A_1786, %select_n3A_1812 : vector<16xi32>
      %add3A_1814 = arith.constant 209 : i32
      %add3A_1815 = vector.broadcast %add3A_1814 : i32 to vector<16xi32>
      %add3A_1816 = arith.addi %iota3A, %add3A_1815 : vector<16xi32>
      %mul3A_1817 = arith.constant 1 : i32
      %mul3A_1818 = vector.broadcast %mul3A_1817 : i32 to vector<16xi32>
      %mul3A_1819 = arith.muli %add3A_1816, %mul3A_1818 : vector<16xi32>
      %add3A_1820 = arith.addi %add3A_1427, %mul3A_1819 : vector<16xi32>
      %sub3A_1821 = arith.constant 1 : i32
      %sub3A_1822 = vector.broadcast %sub3A_1821 : i32 to vector<16xi32>
      %sub3A_1823 = arith.subi %add3A_1820, %sub3A_1822 : vector<16xi32>
      %get3A_1824 = arith.constant 80 : index
      %get3A_1825 = tpu.vector_load %arg11[%get3A_1824] {strides = array<i32>} : memref<128xf32, #tpu.memory_space<vmem>>, vector<16xf32>,
      %get3A_1826 = vector.shape_cast %get3A_1825 : vector<16xf32> to vector<16xf32>
      %lt3A_1827 = arith.cmpf olt, %get3A_1826, %get3A_1454 : vector<16xf32>
      %eq3A_1828 = arith.cmpf oeq, %get3A_1826, %get3A_1454 : vector<16xf32>
      %and3A_1829 = arith.andi %ne3A_1460, %eq3A_1828 : vector<16xi1>
      %or3A_1830 = arith.ori %lt3A_1827, %and3A_1829 : vector<16xi1>
      %le3A_1831 = arith.constant 16777215 : i32
      %le3A_1832 = vector.broadcast %le3A_1831 : i32 to vector<16xi32>
      %le3A_1833 = arith.cmpi sle, %sub3A_1823, %le3A_1832 : vector<16xi32>
      %and3A_1834 = arith.andi %le3A_1833, %or3A_1830 : vector<16xi1>
      %jit3A_1835 = arith.constant 1 : i32
      %jit3A_1836 = arith.constant 0 : i32
      %broadcast_in_dim3A_1837 = vector.broadcast %jit3A_1835 : i32 to vector<16xi32>
      %broadcast_in_dim3A_1838 = vector.broadcast %jit3A_1836 : i32 to vector<16xi32>
      %select_n3A_1839 = arith.select %and3A_1834, %broadcast_in_dim3A_1837, %broadcast_in_dim3A_1838 : vector<16xi1>, vector<16xi32>
      %add3A_1840 = arith.addi %add3A_1813, %select_n3A_1839 : vector<16xi32>
      %add3A_1841 = arith.constant 225 : i32
      %add3A_1842 = vector.broadcast %add3A_1841 : i32 to vector<16xi32>
      %add3A_1843 = arith.addi %iota3A, %add3A_1842 : vector<16xi32>
      %mul3A_1844 = arith.constant 1 : i32
      %mul3A_1845 = vector.broadcast %mul3A_1844 : i32 to vector<16xi32>
      %mul3A_1846 = arith.muli %add3A_1843, %mul3A_1845 : vector<16xi32>
      %add3A_1847 = arith.addi %add3A_1427, %mul3A_1846 : vector<16xi32>
      %sub3A_1848 = arith.constant 1 : i32
      %sub3A_1849 = vector.broadcast %sub3A_1848 : i32 to vector<16xi32>
      %sub3A_1850 = arith.subi %add3A_1847, %sub3A_1849 : vector<16xi32>
      %get3A_1851 = arith.constant 96 : index
      %get3A_1852 = tpu.vector_load %arg11[%get3A_1851] {strides = array<i32>} : memref<128xf32, #tpu.memory_space<vmem>>, vector<16xf32>,
      %get3A_1853 = vector.shape_cast %get3A_1852 : vector<16xf32> to vector<16xf32>
      %lt3A_1854 = arith.cmpf olt, %get3A_1853, %get3A_1454 : vector<16xf32>
      %eq3A_1855 = arith.cmpf oeq, %get3A_1853, %get3A_1454 : vector<16xf32>
      %and3A_1856 = arith.andi %ne3A_1460, %eq3A_1855 : vector<16xi1>
      %or3A_1857 = arith.ori %lt3A_1854, %and3A_1856 : vector<16xi1>
      %le3A_1858 = arith.constant 16777215 : i32
      %le3A_1859 = vector.broadcast %le3A_1858 : i32 to vector<16xi32>
      %le3A_1860 = arith.cmpi sle, %sub3A_1850, %le3A_1859 : vector<16xi32>
      %and3A_1861 = arith.andi %le3A_1860, %or3A_1857 : vector<16xi1>
      %jit3A_1862 = arith.constant 1 : i32
      %jit3A_1863 = arith.constant 0 : i32
      %broadcast_in_dim3A_1864 = vector.broadcast %jit3A_1862 : i32 to vector<16xi32>
      %broadcast_in_dim3A_1865 = vector.broadcast %jit3A_1863 : i32 to vector<16xi32>
      %select_n3A_1866 = arith.select %and3A_1861, %broadcast_in_dim3A_1864, %broadcast_in_dim3A_1865 : vector<16xi1>, vector<16xi32>
      %add3A_1867 = arith.addi %add3A_1840, %select_n3A_1866 : vector<16xi32>
      %add3A_1868 = arith.constant 241 : i32
      %add3A_1869 = vector.broadcast %add3A_1868 : i32 to vector<16xi32>
      %add3A_1870 = arith.addi %iota3A, %add3A_1869 : vector<16xi32>
      %mul3A_1871 = arith.constant 1 : i32
      %mul3A_1872 = vector.broadcast %mul3A_1871 : i32 to vector<16xi32>
      %mul3A_1873 = arith.muli %add3A_1870, %mul3A_1872 : vector<16xi32>
      %add3A_1874 = arith.addi %add3A_1427, %mul3A_1873 : vector<16xi32>
      %sub3A_1875 = arith.constant 1 : i32
      %sub3A_1876 = vector.broadcast %sub3A_1875 : i32 to vector<16xi32>
      %sub3A_1877 = arith.subi %add3A_1874, %sub3A_1876 : vector<16xi32>
      %get3A_1878 = arith.constant 112 : index
      %get3A_1879 = tpu.vector_load %arg11[%get3A_1878] {strides = array<i32>} : memref<128xf32, #tpu.memory_space<vmem>>, vector<16xf32>,
      %get3A_1880 = vector.shape_cast %get3A_1879 : vector<16xf32> to vector<16xf32>
      %lt3A_1881 = arith.cmpf olt, %get3A_1880, %get3A_1454 : vector<16xf32>
      %eq3A_1882 = arith.cmpf oeq, %get3A_1880, %get3A_1454 : vector<16xf32>
      %and3A_1883 = arith.andi %ne3A_1460, %eq3A_1882 : vector<16xi1>
      %or3A_1884 = arith.ori %lt3A_1881, %and3A_1883 : vector<16xi1>
      %le3A_1885 = arith.constant 16777215 : i32
      %le3A_1886 = vector.broadcast %le3A_1885 : i32 to vector<16xi32>
      %le3A_1887 = arith.cmpi sle, %sub3A_1877, %le3A_1886 : vector<16xi32>
      %and3A_1888 = arith.andi %le3A_1887, %or3A_1884 : vector<16xi1>
      %jit3A_1889 = arith.constant 1 : i32
      %jit3A_1890 = arith.constant 0 : i32
      %broadcast_in_dim3A_1891 = vector.broadcast %jit3A_1889 : i32 to vector<16xi32>
      %broadcast_in_dim3A_1892 = vector.broadcast %jit3A_1890 : i32 to vector<16xi32>
      %select_n3A_1893 = arith.select %and3A_1888, %broadcast_in_dim3A_1891, %broadcast_in_dim3A_1892 : vector<16xi1>, vector<16xi32>
      %add3A_1894 = arith.addi %add3A_1867, %select_n3A_1893 : vector<16xi32>
      %add3A_1895 = arith.constant 1 : i32
      %add3A_1896 = vector.broadcast %add3A_1895 : i32 to vector<16xi32>
      %add3A_1897 = arith.addi %iota3A, %add3A_1896 : vector<16xi32>
      %and3A_1898 = arith.constant 15 : i32
      %and3A_1899 = vector.broadcast %and3A_1898 : i32 to vector<16xi32>
      %and3A_1900 = arith.andi %add3A_1897, %and3A_1899 : vector<16xi32>
      %broadcast_in_dim3A_1901 = vector.shape_cast %and3A_1900 : vector<16xi32> to vector<16x1xi32>
      %gather3A_1902 = vector.shape_cast %broadcast_in_dim3A_1901 : vector<16x1xi32> to vector<16xi32>
      %gather3A_1903 = tpu.dynamic_gather %add3A_1894[%gather3A_1902] in [0] : vector<16xi32>, vector<16xi32> -> vector<16xi32>
      %add3A_1904 = arith.addi %add3A_1894, %gather3A_1903 : vector<16xi32>
      %add3A_1905 = arith.constant 2 : i32
      %add3A_1906 = vector.broadcast %add3A_1905 : i32 to vector<16xi32>
      %add3A_1907 = arith.addi %iota3A, %add3A_1906 : vector<16xi32>
      %and3A_1908 = arith.constant 15 : i32
      %and3A_1909 = vector.broadcast %and3A_1908 : i32 to vector<16xi32>
      %and3A_1910 = arith.andi %add3A_1907, %and3A_1909 : vector<16xi32>
      %broadcast_in_dim3A_1911 = vector.shape_cast %and3A_1910 : vector<16xi32> to vector<16x1xi32>
      %gather3A_1912 = vector.shape_cast %broadcast_in_dim3A_1911 : vector<16x1xi32> to vector<16xi32>
      %gather3A_1913 = tpu.dynamic_gather %add3A_1904[%gather3A_1912] in [0] : vector<16xi32>, vector<16xi32> -> vector<16xi32>
      %add3A_1914 = arith.addi %add3A_1904, %gather3A_1913 : vector<16xi32>
      %add3A_1915 = arith.constant 4 : i32
      %add3A_1916 = vector.broadcast %add3A_1915 : i32 to vector<16xi32>
      %add3A_1917 = arith.addi %iota3A, %add3A_1916 : vector<16xi32>
      %and3A_1918 = arith.constant 15 : i32
      %and3A_1919 = vector.broadcast %and3A_1918 : i32 to vector<16xi32>
      %and3A_1920 = arith.andi %add3A_1917, %and3A_1919 : vector<16xi32>
      %broadcast_in_dim3A_1921 = vector.shape_cast %and3A_1920 : vector<16xi32> to vector<16x1xi32>
      %gather3A_1922 = vector.shape_cast %broadcast_in_dim3A_1921 : vector<16x1xi32> to vector<16xi32>
      %gather3A_1923 = tpu.dynamic_gather %add3A_1914[%gather3A_1922] in [0] : vector<16xi32>, vector<16xi32> -> vector<16xi32>
      %add3A_1924 = arith.addi %add3A_1914, %gather3A_1923 : vector<16xi32>
      %add3A_1925 = arith.constant 8 : i32
      %add3A_1926 = vector.broadcast %add3A_1925 : i32 to vector<16xi32>
      %add3A_1927 = arith.addi %iota3A, %add3A_1926 : vector<16xi32>
      %and3A_1928 = arith.constant 15 : i32
      %and3A_1929 = vector.broadcast %and3A_1928 : i32 to vector<16xi32>
      %and3A_1930 = arith.andi %add3A_1927, %and3A_1929 : vector<16xi32>
      %broadcast_in_dim3A_1931 = vector.shape_cast %and3A_1930 : vector<16xi32> to vector<16x1xi32>
      %gather3A_1932 = vector.shape_cast %broadcast_in_dim3A_1931 : vector<16x1xi32> to vector<16xi32>
      %gather3A_1933 = tpu.dynamic_gather %add3A_1924[%gather3A_1932] in [0] : vector<16xi32>, vector<16xi32> -> vector<16xi32>
      %add3A_1934 = arith.addi %add3A_1924, %gather3A_1933 : vector<16xi32>
      %mul3A_1935 = arith.constant 1 : i32
      %mul3A_1936 = vector.broadcast %mul3A_1935 : i32 to vector<16xi32>
      %mul3A_1937 = arith.muli %add3A_1934, %mul3A_1936 : vector<16xi32>
      %add3A_1938 = arith.addi %add3A_1427, %mul3A_1937 : vector<16xi32>
      %swap3A_1939 = arith.constant 0 : index
      %swap3A_1940 = tpu.vector_load %arg13[%swap3A_1939] {strides = array<i32>} : memref<16xi32, #tpu.memory_space<vmem>>, vector<16xi32>,
      %swap3A_1941 = vector.shape_cast %swap3A_1940 : vector<16xi32> to vector<16xi32>
      %swap3A_1942 = vector.shape_cast %add3A_1938 : vector<16xi32> to vector<16xi32>
      tpu.vector_store %arg13[%swap3A_1939], %swap3A_1942 {strides = array<i32>} : memref<16xi32, #tpu.memory_space<vmem>>, vector<16xi32>,
      "tpu.region"() ({
        %run_scoped3A = tpu.sem_alloc : memref<!tpu.dma_semaphore, #tpu.memory_space<semaphore_mem>>
        tpu.enqueue_dma source(%arg13 : memref<16xi32, #tpu.memory_space<vmem>>) target(%arg5 : memref<16xi32, #tpu.memory_space<hbm>>) target_semaphore(%run_scoped3A : memref<!tpu.dma_semaphore, #tpu.memory_space<semaphore_mem>>)
        tpu.wait_dma2 semaphore(%run_scoped3A : memref<!tpu.dma_semaphore, #tpu.memory_space<semaphore_mem>>) src(%arg13 : memref<16xi32, #tpu.memory_space<vmem>>) dst(%arg5 : memref<16xi32, #tpu.memory_space<hbm>>)
        tpu.yield
      }) : () -> ()
    } else {
    }
    return
  }
}

</mosaic_0001>

<sc_bundles>
// kernel: kernel.3.cloned.1.call-start
scs
__scs_entry_jumppad:
0x0: {  	(pc) =	sbr.rel $0x88, $3  }
0x1: {  	(tag) =	ssettag $0x0;
	lr =	simm.s32 $0x1  }
0x2: {  	[smem:$0x3F9D] =	sst lr;
	_ =	strace $0xD0000000  }
0x3: {  	_ = 	snop  }
0x4: {  	_ = 	snop  }
0x5: {  	_ = 	snop  }
0x6: {  	_ = 	snop  }
0x7: {  	_ = 	snop  }
__scs_overlays_trampoline_lowered:
0x8: {  	[smem:$0x3FAC] =	sst s0  }
0x9: {  	[smem:$0x3FAD] =	sst s1  }
0xa: {  	[smem:$0x3FAE] =	sst s2  }
0xb: {  	[smem:$0x3FAF] =	sst s3  }
0xc: {  	[smem:$0x3FB0] =	sst s4  }
0xd: {  	[smem:$0x3FB1] =	sst s5  }
0xe: {  	[smem:$0x3FB2] =	sst s6  }
0xf: {  	[smem:$0x3FB3] =	sst s7  }
0x10: {  	[smem:$0x3FB4] =	sst s8  }
0x11: {  	[smem:$0x3FB5] =	sst s9;
	s0 =	simm.s32 @!p0 $0x0  }
0x12: {  	s1 =	sld [smem:$0x3F9B];
	s0 =	simm.s32 @p0 $0x1  }
0x13: {  	[smem:$0x3FB6] =	sst s0;
	s0 =	simm.s32 @!p1 $0x0  }
0x14: {  	s2 =	sld [smem:$0x3F9A];
	s0 =	simm.s32 @p1 $0x1  }
0x15: {  	[smem:$0x3FB7] =	sst s0;
	s0 =	simm.s32 @!p2 $0x0  }
0x16: {  	s3 =	sld [smem:$0x3FDB];
	s0 =	simm.s32 @p2 $0x1  }
0x17: {  	s4 =	simm.s32 $0x1BF5;
	[smem:$0x3FB9] =	sst s0  }
0x18: {  	s0 =	sld [smem:$0x3F9C];
	_ =	swait.ge [sflag:s4], $0x0  }
0x19: {  	s7 =	sld [smem:$0x3F9D]  }
0x1a: {  	s8 =	sadd.s32 $0xFFFFE003, lr  }
0x1b: {  	s9 =	sadd.s32 $0xFFFFFEF7, lr;
	s5 =	simm.s32 $0xFFFFFFFF;
	p2 =	slt.u32 s8, $0xFFFFF086  }
0x1c: {  	p1 =	slt.u32 s9, $0xF7A;
	s5 =	simm.s32 @!p2 $0x0  }
0x1d: {  	s5 =	simm.s32 @p1 $0x1;
	p0 =	seq.s32 s7, s2  }
0x1e: {  	s7 =	smul.u32 @!p0 $0xF7A, s2;
	p2 =	seq.s32 @!p0 s5, $0x0  }
0x1f: {  	s9 =	smul.u32 $0xF7A, s1;
	s8 =	simm.s32 @!p0 $0x1BF5;
	p2 =	por !p2, p0  }
0x20: {  	[sflag:s8] =	ssyncset.s32 @!p0 $0xFFFFF086;
	s6 =	sadd.s32 @!p0 s3, s7;
	s7 =	simm.s32 @!p0 $0x108  }
0x21: {  	s3 =	sadd.s32 s3, s9;
	s6 =	sadd.s32 @!p0 $0x88, s6;
	s7 =	simm.s32 @p2 $0x1082  }
0x22: {  	[simem:s7], [sflag:s8] =	dma.local @!p0 [hbm:s6], $0xF7A  }
0x23: {  	s9 =	sor.u32 $0xD0000000, s2;
	s6 =	simm.s32 $0x108;
	_ =	swait.ge @!p0 [sflag:s8], $0x0  }
0x24: {  	s3 =	sadd.s32 $0x88, s3;
	s6 =	simm.s32 @!p1 $0x1082;
	[sflag:s4] =	ssyncset.s32 $0xFFFFF086  }
0x25: {  	[simem:s6], [sflag:s4] =	dma.local [hbm:s3], $0xF7A  }
0x26: {  	[smem:$0x3F9D] =	sst s1;
	(tag) =	ssettag s2;
	_ =	strace s9  }
0x27: {  	s1 =	sld [smem:$0x3FAD]  }
0x28: {  	s2 =	sld [smem:$0x3FAE]  }
0x29: {  	s4 =	sld [smem:$0x3FB0]  }
0x2a: {  	p0 =	seq.s32 s5, $0x0;
	s5 =	sld [smem:$0x3FB1]  }
0x2b: {  	s6 =	sld [smem:$0x3FB2]  }
0x2c: {  	s7 =	sld [smem:$0x3FB3]  }
0x2d: {  	s3 =	simm.s32 $0x108;
	s8 =	sld [smem:$0x3FB4]  }
0x2e: {  	s3 =	simm.s32 @!p0 $0x1082;
	s9 =	sld [smem:$0x3FB5]  }
0x2f: {  	lr =	sadd.s32 s0, s3;
	s0 =	sld [smem:$0x3FAC]  }
0x30: {  	s3 =	sld [smem:$0x3FAF]  }
0x31: {  	[smem:$0x3FB8] =	sst s10  }
0x32: {  	s10 =	sld [smem:$0x3FB6];
	_ =	sdelay $0x3  }
0x33: {  	p0 =	seq.s32 s10, $0x1;
	s10 =	sld [smem:$0x3FB8];
	_ =	sdelay $0x3  }
0x34: {  	[smem:$0x3FB8] =	sst s10  }
0x35: {  	s10 =	sld [smem:$0x3FB7];
	_ =	sdelay $0x3  }
0x36: {  	p1 =	seq.s32 s10, $0x1;
	s10 =	sld [smem:$0x3FB8];
	_ =	sdelay $0x3  }
0x37: {  	[smem:$0x3FB8] =	sst s10  }
0x38: {  	s10 =	sld [smem:$0x3FB9]  }
0x39: {  	_ = 	snop;
	(pc) =	sbr.ind lr, $3  }
0x3a: {  	_ = 	snop  }
0x3b: {  	_ = 	snop  }
0x3c: {  	p2 =	seq.s32 s10, $0x1;
	s10 =	sld [smem:$0x3FB8]  }
0x3d: {  	_ =	shalt  }
0x3e: {  	_ =	shalt  }
0x3f: {  	_ =	shalt  }
0x40: {  	_ =	shalt  }
0x41: {  	_ =	shalt  }
0x42: {  	_ =	shalt  }
0x43: {  	_ =	shalt  }
0x44: {  	_ =	shalt  }
0x45: {  	_ =	shalt  }
0x46: {  	_ =	shalt  }
0x47: {  	_ =	shalt  }
0x48: {  	_ =	shalt  }
0x49: {  	_ =	shalt  }
0x4a: {  	_ =	shalt  }
0x4b: {  	_ =	shalt  }
0x4c: {  	_ =	shalt  }
0x4d: {  	_ =	shalt  }
0x4e: {  	_ =	shalt  }
0x4f: {  	_ =	shalt  }
0x50: {  	_ =	shalt  }
0x51: {  	_ =	shalt  }
0x52: {  	_ =	shalt  }
0x53: {  	_ =	shalt  }
0x54: {  	_ =	shalt  }
0x55: {  	_ =	shalt  }
0x56: {  	_ =	shalt  }
0x57: {  	_ =	shalt  }
0x58: {  	_ =	shalt  }
0x59: {  	_ =	shalt  }
0x5a: {  	_ =	shalt  }
0x5b: {  	_ =	shalt  }
0x5c: {  	_ =	shalt  }
0x5d: {  	_ =	shalt  }
0x5e: {  	_ =	shalt  }
0x5f: {  	_ =	shalt  }
0x60: {  	_ =	shalt  }
0x61: {  	_ =	shalt  }
0x62: {  	_ =	shalt  }
0x63: {  	_ =	shalt  }
0x64: {  	_ =	shalt  }
0x65: {  	_ =	shalt  }
0x66: {  	_ =	shalt  }
0x67: {  	_ =	shalt  }
0x68: {  	_ =	shalt  }
0x69: {  	_ =	shalt  }
0x6a: {  	_ =	shalt  }
0x6b: {  	_ =	shalt  }
0x6c: {  	_ =	shalt  }
0x6d: {  	_ =	shalt  }
0x6e: {  	_ =	shalt  }
0x6f: {  	_ =	shalt  }
0x70: {  	_ =	shalt  }
0x71: {  	_ =	shalt  }
0x72: {  	_ =	shalt  }
0x73: {  	_ =	shalt  }
0x74: {  	_ =	shalt  }
0x75: {  	_ =	shalt  }
0x76: {  	_ =	shalt  }
0x77: {  	_ =	shalt  }
0x78: {  	_ =	shalt  }
0x79: {  	_ =	shalt  }
0x7a: {  	_ =	shalt  }
0x7b: {  	_ =	shalt  }
0x7c: {  	_ =	shalt  }
0x7d: {  	_ =	shalt  }
0x7e: {  	_ =	shalt  }
0x7f: {  	_ =	shalt  }
0x80: {  	_ =	shalt  }
0x81: {  	_ =	shalt  }
0x82: {  	_ =	shalt  }
0x83: {  	_ =	shalt  }
0x84: {  	_ =	shalt  }
0x85: {  	_ =	shalt  }
0x86: {  	_ =	shalt  }
0x87: {  	_ =	shalt  }
.Lfunc_end0:
.L_simem_size_0:
called_computation_lowered:
.L_overlay_start_0:
0x88: {  	s0 =	sld [smem:$0x3FD9]  }
0x89: {  	s1 =	sld [smem:$0x3FFE];
	_ =	sdelay $0x3  }
0x8a: {  	s0 =	sadd.s32 s1, s0  }
0x8b: {  	[smem:$0x3FC4] =	sst s0  }
0x8c: {  	_ = 	snop  }
0x8d: {  	s0 =	sld [smem:$0x3FC9]  }
0x8e: {  	s16 =	sld [smem:$0x3FC6]  }
0x8f: {  	s2 =	sld [smem:$0x3FD0];
	(tm) =	ssettm $0x1  }
0x90: {  	s3 =	sld [smem:$0x3FFB];
	_ =	sdelay $0x3  }
0x91: {  	_ =	strace s3  }
0x92: {  	s3 =	sld [smem:$0x3FFC];
	_ =	sdelay $0x3  }
0x93: {  	_ =	strace s3  }
0x94: {  	s3 =	sld [smem:$0x3FFD];
	_ =	sdelay $0x3  }
0x95: {  	_ =	strace s3  }
0x96: {  	_ =	strace $0x8FFFFFFF  }
0x97: {  	s17 =	sld [smem:$0x3FDB];
	_ =	sdelay $0x1  }
0x98: {  	s4 =	simm.s32 $_scs_section_size  }
0x99: {  	s5 =	simm.s32 $_size__tile_overlayer_lowered;
	s6 =	simm.s32 $_tile_overlayer_lowered  }
0x9a: {  	s20 =	simm.s32 $0x1BFF;
	s19 =	sshll.u32 s6, $0x1;
	s3 =	sadd.s32 s4, s17  }
0x9b: {  	s7 =	simm.s32 $0x0;
	s18 =	sshll.u32 s5, $0x1;
	s5 =	sadd.s32 s19, s3  }
0x9c: {  	[timem:s7], [sflag:s20] =	dma.local [hbm:s5], s18  }
0x9d: {  	_ =	swait.ge [sflag:s20], s18  }
0x9e: {  	s4 =	ssub.s32 $0x0, s18;
	[sflag:s20] =	ssyncset.done $0x0  }
0x9f: {  	[sflag:s20] =	ssyncadd.s32 s4;
	_ =	sdelay $0x1  }
0xa0: {  	s21 =	simm.s32 $0x1B8B  }
0xa1: {  	_ =	swait.ge [sflag:s21], $0x1  }
0xa2: {  	[sflag:s21] =	ssyncset.done $0x0  }
0xa3: {  	s23 =	simm.s32 $0x1B8E;
	s22 =	sld [smem:$0x3FFE];
	[sflag:s21] =	ssyncadd.s32 $0xFFFFFFFF  }
0xa4: {  	s24 =	simm.s32 $execute0_lowered;
	[smem:$0x3FD2] =	sst s23  }
0xa5: {  	s5 =	sshll.u32 s24, $0x1;
	_ =	strace $0x80000046;
	[dreg:$0x1] =	wrdreg $0xFFFFFFFF  }
0xa6: {  	s25 =	simm.s32 $_size_execute0_lowered;
	s3 =	sadd.s32 s3, s5;
	[dreg:$0x0] =	wrdreg $0x0  }
0xa7: {  	s5 =	sshll.u32 s25, $0x1;
	[dreg:$0x2] =	wrdreg s3  }
0xa8: {  	[dreg:$0x3] =	wrdreg s5  }
0xa9: {  	[dreg:$0x4] =	wrdreg $0xC0  }
0xaa: {  	_ =	task [dreg:s7], $0x5FFFF  }
0xab: {  	[dreg:$0x1] =	wrdreg $0xFFFFFFFF  }
0xac: {  	[dreg:$0x0] =	wrdreg $0x60  }
0xad: {  	[dreg:$0x2] =	wrdreg s0  }
0xae: {  	[dreg:$0x3] =	wrdreg s16  }
0xaf: {  	[dreg:$0x4] =	wrdreg s22  }
0xb0: {  	[dreg:$0x5] =	wrdreg s2  }
0xb1: {  	[dreg:$0x6] =	wrdreg $0x9  }
0xb2: {  	_ =	task.clear_ibuf [dreg:s7], $0x7FFFF;
	_ =	strace $0x90000046  }
0xb3: {  	s26 =	simm.s32 $0x9;
	_ =	strace $0x80000048  }
0xb4: {  	_ =	swait.ge [sflag:s26], $0x1  }
0xb5: {  	[sflag:s26] =	ssyncadd.s32 $0xFFFFFFFF  }
0xb6: {  	_ =	strace $0x90000048  }
0xb7: {  	_ =	sfence  }
0xb8: {  	s28 =	sld [smem:$0x0];
	_ =	sdelay $0x1  }
0xb9: {  	s29 =	srdreg.scid  }
0xba: {  	s30 =	sshll.u32 s29, $0xD;
	s31 =	sshrl.u32 s29, $0x2  }
0xbb: {  	s1 =	sand.u32 $0x1, s29;
	s2 =	sand.u32 $0x4000, s30;
	s0 =	sadd.s32 s31, s28  }
0xbc: {  	s1 =	sor.u32 s2, s1;
	s0 =	sshll.u32 s0, $0x11  }
0xbd: {  	s0 =	sor.u32 s0, s1  }
0xbe: {  	s0 =	sadd.s32 $0x8F2B, s0  }
0xbf: {  	[sflag:s0] =	ssyncadd.remote.s32 $0x1  }
0xc0: {  	_ =	sfence.sel $0xFFFF  }
0xc1: {  	[dreg:$0x0] =	wrdreg $0xFFFFFFFF;
	(pc) =	sbr.abs _section_cstart, $3  }
0xc2: {  	[dreg:$0x1] =	wrdreg $0xFFFFFFFF  }
0xc3: {  	_ =	task.clear_ibuf [dreg:s7], $0x2FFFF;
	_ =	strace $0x9FFFFFFF  }
0xc4: {  	(tm) =	ssettm $0x7FFFFFFF  }
0xc5: {  	_ =	shalt  }
tec
execute0_lowered:
.L_overlay_start_1:
0x0: {  	(tag) =	ssettag $0x1  }
0x1: {  	s3 =	rddreg [dreg:$0x0]  }
0x2: {  	s4 =	rddreg [dreg:$0x1]  }
0x3: {  	s5 =	rddreg [dreg:$0x2]  }
0x4: {  	s1 =	rddreg [dreg:$0x3];
	s2 =	simm.s32 $0x0  }
0x5: {  	s6 =	stileid.u32;
	[smem:$0x7FF] =	sst s2  }
0x6: {  	s0 =	rddreg [dreg:$0x4];
	p0 =	sne.s32 s6, $0x0;
	_ =	strace $0x80000047  }
0x7: {  	_ =	sfence.sel @p0 $0x180000  }
0x8: {  	[bflag:$0x0] =	sbarrier.arrive @p0 $0xFFFF  }
0x9: {  	_ =	strace @p0 $0x90000047  }
0xa: {  	[bflag:$0x2] =	sbarrier.arrive @p0 $0xFFFF  }
0xb: {  	_ =	shalt @p0  }
.LBB2_1:
0xc: {  	v1 =	vlaneseq.u32  }
0xd: {  	v0 =	vmul.u32 $0x10000, v1  }
0xe: {  	s5 =	sadd.s32 $0x400, s5;
	s6 =	simm.s32 $0x300  }
0xf: {  	[tilespmem:s6], [sflag:$0x4] =	stream.linear.gather [hbm4b:s5+s2], $0x80, $0x38;
	v2 =	vor.u32 $0xFFFF, v0;
	[tilespmem:$0x400] =	vst v63  }
0x10: {  	v28 =	vor.u32 $0x10FFFF, v0;
	[tilespmem:$0x0] =	vst v2  }
0x11: {  	v29 =	vor.u32 $0x20FFFF, v0;
	[tilespmem:$0x10] =	vst v28  }
0x12: {  	v30 =	vor.u32 $0x30FFFF, v0;
	[tilespmem:$0x20] =	vst v29  }
0x13: {  	v31 =	vor.u32 $0x40FFFF, v0;
	[tilespmem:$0x30] =	vst v30  }
0x14: {  	v32 =	vor.u32 $0x50FFFF, v0;
	[tilespmem:$0x40] =	vst v31  }
0x15: {  	v33 =	vor.u32 $0x60FFFF, v0;
	[tilespmem:$0x50] =	vst v32  }
0x16: {  	v34 =	vor.u32 $0x70FFFF, v0;
	[tilespmem:$0x60] =	vst v33  }
0x17: {  	v35 =	vor.u32 $0x80FFFF, v0;
	[tilespmem:$0x70] =	vst v34  }
0x18: {  	v36 =	vor.u32 $0x90FFFF, v0;
	[tilespmem:$0x80] =	vst v35  }
0x19: {  	v37 =	vor.u32 $0xA0FFFF, v0;
	[tilespmem:$0x90] =	vst v36  }
0x1a: {  	v38 =	vor.u32 $0xB0FFFF, v0;
	[tilespmem:$0xA0] =	vst v37  }
0x1b: {  	v39 =	vor.u32 $0xC0FFFF, v0;
	[tilespmem:$0xB0] =	vst v38  }
0x1c: {  	v40 =	vor.u32 $0xD0FFFF, v0;
	[tilespmem:$0xC0] =	vst v39  }
0x1d: {  	v41 =	vor.u32 $0xE0FFFF, v0;
	[tilespmem:$0xD0] =	vst v40  }
0x1e: {  	v0 =	vor.u32 $0xF0FFFF, v0;
	[tilespmem:$0xE0] =	vst v41  }
0x1f: {  	s25 =	simm.s32 $0x80;
	s7 =	simm.s32 $0x100;
	[tilespmem:$0xF0] =	vst v0  }
0x20: {  	[tilespmem:s7], [sflag:$0x1] =	stream.indirect.gather [hbm4b:s4+s25], $0x1, s2, s25, $0xb8;
	[tilespmem:$0x400] =	vst v63  }
0x21: {  	s26 =	simm.s32 $0x180;
	s8 =	simm.s32 $0x1  }
0x22: {  	[tilespmem:s26], [sflag:$0x2] =	stream.indirect.gather [hbm4b:s4+s25], $0x1, s25, s25, $0xb8;
	[tilespmem:$0x400] =	vst v63  }
0x23: {  	_ =	swait.ge [sflag:s8], $0x80  }
0x24: {  	[sflag:s8] =	ssyncset.done $0x0  }
0x25: {  	s11 =	simm.s32 $0x200;
	s10 =	simm.s32 $0x2;
	[sflag:s8] =	ssyncadd.s32 $0xFFFFFF80  }
0x26: {  	[tilespmem:s11], [sflag:$0x3] =	stream.indirect.gather [hbm4b:s3+s25], $0x1, s7, s25, $0xb8;
	[tilespmem:$0x400] =	vst v63  }
0x27: {  	_ =	swait.ge [sflag:s10], $0x80  }
0x28: {  	[sflag:s10] =	ssyncset.done $0x0  }
0x29: {  	s12 =	simm.s32 $0x280;
	s9 =	simm.s32 $0x3;
	[sflag:s10] =	ssyncadd.s32 $0xFFFFFF80  }
0x2a: {  	[tilespmem:s12], [sflag:$0x3] =	stream.indirect.gather [hbm4b:s3+s25], $0x1, s26, s25, $0xb8;
	[tilespmem:$0x400] =	vst v63  }
0x2b: {  	_ =	swait.ge [sflag:s9], $0x80  }
0x2c: {  	[sflag:s9] =	ssyncset.done $0x0  }
0x2d: {  	[sflag:s9] =	ssyncadd.s32 $0xFFFFFF80  }
0x2e: {  	_ =	swait.ge [sflag:s9], $0x80  }
0x2f: {  	[sflag:s9] =	ssyncset.done $0x0  }
0x30: {  	s13 =	simm.s32 $0x4;
	[sflag:s9] =	ssyncadd.s32 $0xFFFFFF80  }
0x31: {  	_ =	swait.ge [sflag:s13], $0x80  }
0x32: {  	[sflag:s13] =	ssyncset.done $0x0  }
0x33: {  	[sflag:s13] =	ssyncadd.s32 $0xFFFFFF80  }
0x34: {  	v42 =	vld [tilespmem:$0x300]  }
0x35: {  	v43 =	vld [tilespmem:$0x310]  }
0x36: {  	v3 =	vld [tilespmem:$0x200]  }
0x37: {  	v4 =	vld [tilespmem:$0x210]  }
0x38: {  	v16 =	vimm.s32 $0xFEDCBA9;
	v17 =	vimm.s32 $0x87654321;
	v5 =	vld [tilespmem:$0x220]  }
0x39: {  	v20 =	vimm.s32 $0x10FEDCBA;
	v22 =	vimm.s32 $0x98765432;
	v44 =	vld [tilespmem:$0x230]  }
0x3a: {  	v25 =	vimm.s32 $0x3210FEDC;
	v8 =	vimm.s32 $0xBA987654;
	v45 =	vld [tilespmem:$0x240]  }
0x3b: {  	v23 =	vunpack.c.l.s4.s8 v22;
	v8 =	vunpack.c.l.s4.s8 v8;
	v0 =	vimm.s32 $0x0;
	v46 =	vld [tilespmem:$0x250]  }
0x3c: {  	v48 =	vld [tilespmem:$0x260];
	vm0 =	vlt.f32 v43, $0.0e+00;
	vm1 =	vgt.f32 v43, $0.0e+00;
	vm7 =	veq.f32 v3, v42  }
0x3d: {  	vm2 =	vlt.f32 v3, v42;
	vm8 =	veq.f32 v4, v42;
	vm3 =	vlt.f32 v4, v42  }
0x3e: {  	v50 =	vld [tilespmem:$0x270];
	vm10 =	veq.f32 v5, v42;
	vm11 =	vlt.f32 v5, v42;
	vm12 =	veq.f32 v44, v42  }
0x3f: {  	v52 =	vld [tilespmem:$0x280];
	vm13 =	vlt.f32 v44, v42;
	vm14 =	veq.f32 v45, v42;
	vm15 =	vlt.f32 v45, v42  }
0x40: {  	vm4 =	veq.f32 v46, v42;
	vm5 =	vlt.f32 v46, v42;
	vm0 =	vmor vm1, vm0  }
0x41: {  	v54 =	vld [tilespmem:$0x290];
	vm6 =	veq.f32 v48, v42;
	v4 =	vunpack.c.l.s4.s8 v20;
	vm1 =	vmand vm0, vm7  }
0x42: {  	v5 =	vunpack.c.0.s8.s32 v23;
	vm7 =	vlt.f32 v48, v42;
	vm1 =	vmor vm2, vm1  }
0x43: {  	v56 =	vld [tilespmem:$0x2A0];
	vm2 =	vmand vm0, vm8;
	vm8 =	veq.f32 v50, v42;
	v6 =	vsel vm1, $0x1, v0  }
0x44: {  	vm9 =	vmor vm3, vm2;
	vm2 =	vmand vm0, vm10;
	vm10 =	veq.f32 v52, v42  }
0x45: {  	v7 =	vsel vm9, $0x1, v0;
	vm1 =	vmor vm11, vm2;
	vm2 =	vmand vm0, vm12  }
0x46: {  	v58 =	vld [tilespmem:$0x2B0];
	vm9 =	vlt.f32 v50, v42;
	vm11 =	vlt.f32 v52, v42;
	vm12 =	veq.f32 v54, v42  }
0x47: {  	v6 =	vadd.s32 v6, v7;
	v47 =	vsel vm1, $0x1, v0;
	vm1 =	vmor vm13, vm2  }
0x48: {  	v60 =	vld [tilespmem:$0x2C0];
	vm2 =	vmand vm0, vm14;
	vm13 =	vlt.f32 v54, v42;
	vm14 =	veq.f32 v56, v42  }
0x49: {  	v7 =	vunpack.c.l.s4.s8 v17;
	v6 =	vadd.s32 v47, v6;
	v49 =	vsel vm1, $0x1, v0  }
0x4a: {  	v62 =	vld [tilespmem:$0x2D0];
	vm1 =	vmor vm15, vm2;
	vm2 =	vmand vm0, vm4;
	vm15 =	vlt.f32 v56, v42  }
0x4b: {  	vm4 =	veq.f32 v58, v42;
	v6 =	vadd.s32 v49, v6;
	v51 =	vsel vm1, $0x1, v0  }
0x4c: {  	v10 =	vld [tilespmem:$0x2E0];
	vm1 =	vmor vm5, vm2;
	vm2 =	vmand vm0, vm6;
	vm5 =	vlt.f32 v58, v42  }
0x4d: {  	vm6 =	veq.f32 v60, v42;
	v7 =	vunpack.c.0.s8.s32 v7;
	v6 =	vadd.s32 v51, v6  }
0x4e: {  	v14 =	vld [tilespmem:$0x2F0];
	v53 =	vsel vm1, $0x1, v0;
	vm1 =	vmor vm7, vm2;
	vm2 =	vmand vm0, vm8  }
0x4f: {  	vm7 =	vlt.f32 v60, v42;
	vm8 =	veq.f32 v62, v42;
	v6 =	vadd.s32 v53, v6  }
0x50: {  	v55 =	vsel vm1, $0x1, v0;
	vm1 =	vmor vm9, vm2;
	vm2 =	vmand vm0, vm10  }
0x51: {  	vm9 =	vlt.f32 v62, v42;
	vm10 =	vlt.f32 v10, v42;
	v6 =	vadd.s32 v55, v6  }
0x52: {  	v57 =	vsel vm1, $0x1, v0;
	vm1 =	vmor vm11, vm2;
	vm2 =	vmand vm0, vm12  }
0x53: {  	vm11 =	veq.f32 v10, v42;
	vm12 =	veq.f32 v14, v42;
	v6 =	vadd.s32 v57, v6  }
0x54: {  	v59 =	vsel vm1, $0x1, v0;
	vm1 =	vmor vm13, vm2;
	vm2 =	vmand vm0, vm14  }
0x55: {  	vm13 =	vlt.f32 v14, v42;
	v6 =	vadd.s32 v59, v6;
	v61 =	vsel vm1, $0x1, v0  }
0x56: {  	vm1 =	vmor vm15, vm2;
	vm2 =	vmand vm0, vm4;
	v6 =	vadd.s32 v61, v6  }
0x57: {  	v63 =	vsel vm1, $0x1, v0;
	vm1 =	vmor vm5, vm2;
	vm2 =	vmand vm0, vm6  }
0x58: {  	v9 =	vadd.s32 v63, v6;
	v11 =	vsel vm1, $0x1, v0;
	vm1 =	vmor vm7, vm2  }
0x59: {  	vm2 =	vmand vm0, vm8;
	v6 =	vunpack.c.l.s4.s8 v16;
	v12 =	vadd.s32 v11, v9  }
0x5a: {  	v13 =	vsel vm1, $0x1, v0;
	vm1 =	vmor vm9, vm2;
	vm2 =	vmand vm0, vm11  }
0x5b: {  	vm0 =	vmand vm0, vm12;
	v3 =	vadd.s32 v13, v12;
	v6 =	vunpack.c.0.s8.s32 v6  }
0x5c: {  	v15 =	vsel vm1, $0x1, v0;
	vm1 =	vmor vm10, vm2;
	vm0 =	vmor vm13, vm0  }
0x5d: {  	v3 =	vadd.s32 v15, v3;
	v18 =	vsel vm1, $0x1, v0;
	v19 =	vcombine.low v7, v6  }
0x5e: {  	v4 =	vunpack.c.0.s8.s32 v4;
	v21 =	vsel vm0, $0x1, v0;
	v3 =	vadd.s32 v18, v3  }
0x5f: {  	v7 =	vunpack.c.l.s4.s8 v25;
	v3 =	vadd.s32 v21, v3;
	v2 =	vand.u32 $0xF, v19  }
0x60: {  	v28 =	vunpack.c.0.s8.s32 v8;
	v26 =	vcombine.low v5, v4;
	v24 =	vperm.xlane v3, v2  }
0x61: {  	v29 =	vimm.s32 $0xFEDCBA98;
	v30 =	vimm.s32 $0x76543210;
	v27 =	vunpack.c.0.s8.s32 v7  }
0x62: {  	v7 =	vunpack.c.l.s4.s8 v29;
	v6 =	vadd.s32 v24, v3;
	v3 =	vand.u32 $0xF, v26  }
0x63: {  	v31 =	vunpack.c.l.s4.s8 v30;
	v4 =	vcombine.low v28, v27;
	v9 =	vperm.xlane v6, v3  }
0x64: {  	v33 =	vmul.u32 $0x100, v1;
	v7 =	vunpack.c.0.s8.s32 v7  }
0x65: {  	v5 =	vunpack.c.0.s8.s32 v31;
	v4 =	vand.u32 $0xF, v4;
	v6 =	vadd.s32 v9, v6  }
0x66: {  	v7 =	vand.u32 $0xF, v7;
	v32 =	vperm.xlane v6, v4  }
0x67: {  	v34 =	vor.u32 $0xFF, v33;
	v35 =	vor.u32 $0x10FF, v33;
	v5 =	vcombine.low v7, v5  }
0x68: {  	v37 =	vor.u32 $0x20FF, v33;
	v38 =	vor.u32 $0x30FF, v33;
	v6 =	vadd.s32 v32, v6  }
0x69: {  	v40 =	vor.u32 $0x50FF, v33;
	v41 =	vor.u32 $0x60FF, v33;
	v7 =	vperm.xlane v6, v5  }
0x6a: {  	v8 =	vor.u32 $0xF0FF, v33;
	v44 =	vor.u32 $0x70FF, v33;
	v46 =	vor.u32 $0x80FF, v33  }
0x6b: {  	v50 =	vor.u32 $0xA0FF, v33;
	v54 =	vor.u32 $0xC0FF, v33;
	v6 =	vadd.s32 v7, v6  }
0x6c: {  	v47 =	vor.u32 $0x90FF, v33;
	v53 =	vor.u32 $0xB0FF, v33;
	v6 =	vshll.u32 v6, $0x10  }
0x6d: {  	v57 =	vor.u32 $0xD0FF, v33;
	v11 =	vor.u32 $0x40FF, v33;
	v19 =	vor.u32 v34, v6  }
0x6e: {  	v24 =	vor.u32 $0xE0FF, v33;
	v20 =	vor.u32 v35, v6;
	vm14 =	vlt.s32 v19, $0xFFFFFF  }
0x6f: {  	v21 =	vor.u32 v37, v6;
	vm15 =	vlt.s32 v20, $0xFFFFFF;
	v36 =	vnsel vm14, $0xFFFFFF, v19  }
0x70: {  	v22 =	vor.u32 v38, v6;
	vm4 =	vlt.s32 v21, $0xFFFFFF;
	v10 =	vnsel vm15, $0xFFFFFF, v20;
	[tilespmem:$0x0] =	vst v36  }
0x71: {  	v23 =	vor.u32 v11, v6;
	vm5 =	vlt.s32 v22, $0xFFFFFF;
	v39 =	vnsel vm4, $0xFFFFFF, v21;
	[tilespmem:$0x10] =	vst v10  }
0x72: {  	v18 =	vor.u32 v40, v6;
	vm6 =	vlt.s32 v23, $0xFFFFFF;
	v12 =	vnsel vm5, $0xFFFFFF, v22;
	[tilespmem:$0x20] =	vst v39  }
0x73: {  	v17 =	vor.u32 v41, v6;
	vm7 =	vlt.s32 v18, $0xFFFFFF;
	v42 =	vnsel vm6, $0xFFFFFF, v23;
	[tilespmem:$0x30] =	vst v12  }
0x74: {  	v15 =	vor.u32 v44, v6;
	vm8 =	vlt.s32 v17, $0xFFFFFF;
	v43 =	vnsel vm7, $0xFFFFFF, v18;
	[tilespmem:$0x40] =	vst v42  }
0x75: {  	v14 =	vor.u32 v46, v6;
	vm9 =	vlt.s32 v15, $0xFFFFFF;
	v45 =	vnsel vm8, $0xFFFFFF, v17;
	[tilespmem:$0x50] =	vst v43  }
0x76: {  	v13 =	vor.u32 v47, v6;
	vm10 =	vlt.s32 v14, $0xFFFFFF;
	v48 =	vnsel vm9, $0xFFFFFF, v15;
	[tilespmem:$0x60] =	vst v45  }
0x77: {  	v52 =	vor.u32 v50, v6;
	vm11 =	vlt.s32 v13, $0xFFFFFF;
	v49 =	vnsel vm10, $0xFFFFFF, v14;
	[tilespmem:$0x70] =	vst v48  }
0x78: {  	v11 =	vor.u32 v53, v6;
	vm12 =	vlt.s32 v52, $0xFFFFFF;
	v51 =	vnsel vm11, $0xFFFFFF, v13;
	[tilespmem:$0x80] =	vst v49  }
0x79: {  	v55 =	vor.u32 v54, v6;
	vm13 =	vlt.s32 v11, $0xFFFFFF;
	v16 =	vnsel vm12, $0xFFFFFF, v52;
	[tilespmem:$0x90] =	vst v51  }
0x7a: {  	v9 =	vor.u32 v57, v6;
	v56 =	vnsel vm13, $0xFFFFFF, v11;
	vm14 =	vlt.s32 v55, $0xFFFFFF;
	[tilespmem:$0xA0] =	vst v16  }
0x7b: {  	v7 =	vor.u32 v24, v6;
	vm15 =	vlt.s32 v9, $0xFFFFFF;
	v58 =	vnsel vm14, $0xFFFFFF, v55;
	[tilespmem:$0xB0] =	vst v56  }
0x7c: {  	v8 =	vor.u32 v8, v6;
	vm4 =	vlt.s32 v7, $0xFFFFFF;
	v59 =	vnsel vm15, $0xFFFFFF, v9;
	[tilespmem:$0xC0] =	vst v58  }
0x7d: {  	vm5 =	vlt.s32 v8, $0xFFFFFF;
	v60 =	vnsel vm4, $0xFFFFFF, v7;
	[tilespmem:$0xD0] =	vst v59  }
0x7e: {  	v61 =	vnsel vm5, $0xFFFFFF, v8;
	[tilespmem:$0xE0] =	vst v60  }
0x7f: {  	[tilespmem:$0xF0] =	vst v61  }
0x80: {  	[tilespmem:s7], [sflag:$0x1] =	stream.indirect.gather [hbm4b:s4+s25], $0x1, s2, s25, $0xb8;
	[tilespmem:$0x400] =	vst v63  }
0x81: {  	_ = 	snop  }
0x82: {  	[tilespmem:s26], [sflag:$0x2] =	stream.indirect.gather [hbm4b:s4+s25], $0x1, s25, s25, $0xb8;
	[tilespmem:$0x400] =	vst v63  }
0x83: {  	_ =	swait.ge [sflag:s8], $0x80  }
0x84: {  	[sflag:s8] =	ssyncset.done $0x0  }
0x85: {  	[sflag:s8] =	ssyncadd.s32 $0xFFFFFF80  }
0x86: {  	[tilespmem:s11], [sflag:$0x3] =	stream.indirect.gather [hbm4b:s3+s25], $0x1, s7, s25, $0xb8;
	[tilespmem:$0x400] =	vst v63  }
0x87: {  	_ =	swait.ge [sflag:s10], $0x80  }
0x88: {  	[sflag:s10] =	ssyncset.done $0x0  }
0x89: {  	[sflag:s10] =	ssyncadd.s32 $0xFFFFFF80  }
0x8a: {  	[tilespmem:s12], [sflag:$0x3] =	stream.indirect.gather [hbm4b:s3+s25], $0x1, s26, s25, $0xb8;
	[tilespmem:$0x400] =	vst v63  }
0x8b: {  	_ =	swait.ge [sflag:s9], $0x80  }
0x8c: {  	[sflag:s9] =	ssyncset.done $0x0  }
0x8d: {  	[sflag:s9] =	ssyncadd.s32 $0xFFFFFF80  }
0x8e: {  	_ =	swait.ge [sflag:s9], $0x80  }
0x8f: {  	[sflag:s9] =	ssyncset.done $0x0  }
0x90: {  	[sflag:s9] =	ssyncadd.s32 $0xFFFFFF80  }
0x91: {  	v62 =	vld [tilespmem:$0x300]  }
0x92: {  	v63 =	vld [tilespmem:$0x310]  }
0x93: {  	v25 =	vld [tilespmem:$0x200]  }
0x94: {  	v26 =	vld [tilespmem:$0x210]  }
0x95: {  	v27 =	vld [tilespmem:$0x220]  }
0x96: {  	v30 =	vld [tilespmem:$0x230]  }
0x97: {  	vm10 =	vlt.s32 v19, $0x1000000  }
0x98: {  	vm14 =	vlt.s32 v20, $0x1000000;
	vm6 =	vlt.f32 v63, $0.0e+00;
	vm7 =	vgt.f32 v63, $0.0e+00  }
0x99: {  	v36 =	vld [tilespmem:$0x260];
	vm8 =	veq.f32 v25, v62;
	vm9 =	vlt.f32 v25, v62;
	vm4 =	vlt.f32 v26, v62  }
0x9a: {  	v32 =	vld [tilespmem:$0x250];
	vm5 =	veq.f32 v26, v62;
	vm12 =	veq.f32 v27, v62;
	vm13 =	vlt.f32 v27, v62  }
0x9b: {  	vm15 =	veq.f32 v30, v62;
	vm0 =	vmor vm7, vm6;
	vm6 =	vlt.s32 v21, $0x1000000  }
0x9c: {  	vm7 =	vlt.f32 v30, v62;
	vm1 =	vmand vm0, vm8;
	vm11 =	vmand vm0, vm5  }
0x9d: {  	v31 =	vld [tilespmem:$0x240];
	vm3 =	vmand vm0, vm12;
	vm5 =	vlt.s32 v22, $0x1000000;
	vm8 =	vlt.s32 v23, $0x1000000  }
0x9e: {  	vm12 =	veq.f32 v36, v62;
	vm1 =	vmor vm9, vm1;
	vm2 =	vmor vm4, vm11  }
0x9f: {  	v40 =	vld [tilespmem:$0x280];
	vm3 =	vmor vm13, vm3;
	vm4 =	vmand vm0, vm15;
	vm9 =	veq.f32 v32, v62  }
0xa0: {  	v43 =	vld [tilespmem:$0x290];
	vm13 =	vlt.s32 v18, $0x1000000;
	vm15 =	vlt.s32 v17, $0x1000000;
	vm1 =	vmand vm10, vm1  }
0xa1: {  	vm2 =	vmand vm14, vm2;
	vm3 =	vmand vm6, vm3;
	vm4 =	vmor vm7, vm4  }
0xa2: {  	v38 =	vld [tilespmem:$0x270];
	vm6 =	veq.f32 v31, v62;
	vm7 =	vlt.f32 v31, v62;
	vm10 =	vlt.f32 v32, v62  }
0xa3: {  	vm14 =	vlt.f32 v36, v62;
	v33 =	vsel vm1, $0x1, v0;
	v34 =	vsel vm2, $0x1, v0  }
0xa4: {  	v47 =	vld [tilespmem:$0x2B0];
	v35 =	vsel vm3, $0x1, v0;
	vm1 =	vmand vm5, vm4;
	vm3 =	vmand vm0, vm9  }
0xa5: {  	vm2 =	vmand vm0, vm12;
	vm9 =	veq.f32 v40, v62;
	vm12 =	veq.f32 v43, v62  }
0xa6: {  	v50 =	vld [tilespmem:$0x2C0];
	v21 =	vadd.s32 v33, v34;
	v37 =	vsel vm1, $0x1, v0;
	vm1 =	vmand vm0, vm6  }
0xa7: {  	vm11 =	vmor vm10, vm3;
	vm2 =	vmor vm14, vm2;
	vm6 =	veq.f32 v38, v62  }
0xa8: {  	vm10 =	vlt.f32 v40, v62;
	vm3 =	vmand vm0, vm9;
	vm14 =	vlt.f32 v43, v62  }
0xa9: {  	vm9 =	veq.f32 v47, v62;
	v21 =	vadd.s32 v35, v21;
	vm1 =	vmor vm7, vm1  }
0xaa: {  	vm5 =	vmand vm15, vm2;
	vm7 =	vlt.f32 v38, v62;
	vm2 =	vmand vm0, vm12  }
0xab: {  	v54 =	vld [tilespmem:$0x2E0];
	vm15 =	vlt.s32 v13, $0x1000000;
	vm12 =	veq.f32 v50, v62;
	v21 =	vadd.s32 v37, v21  }
0xac: {  	vm1 =	vmand vm8, vm1;
	v44 =	vsel vm5, $0x1, v0;
	vm8 =	vlt.s32 v15, $0x1000000  }
0xad: {  	v45 =	vld [tilespmem:$0x2A0];
	vm2 =	vmor vm14, vm2;
	vm14 =	vlt.f32 v50, v62;
	v39 =	vsel vm1, $0x1, v0  }
0xae: {  	vm1 =	vmand vm13, vm11;
	vm11 =	vmor vm10, vm3;
	vm13 =	vlt.s32 v14, $0x1000000  }
0xaf: {  	vm5 =	vmand vm15, vm2;
	vm10 =	vlt.f32 v47, v62;
	vm3 =	vmand vm0, vm9  }
0xb0: {  	vm2 =	vmand vm0, vm12;
	vm15 =	vlt.s32 v55, $0x1000000;
	vm9 =	vlt.f32 v54, v62  }
0xb1: {  	vm12 =	vlt.s32 v7, $0x1000000;
	v41 =	vadd.s32 v39, v21;
	v42 =	vsel vm1, $0x1, v0  }
0xb2: {  	vm1 =	vmand vm0, vm6;
	v51 =	vsel vm5, $0x1, v0;
	vm6 =	veq.f32 v45, v62  }
0xb3: {  	vm2 =	vmor vm14, vm2;
	vm14 =	vlt.s32 v8, $0x1000000;
	v17 =	vadd.s32 v42, v41  }
0xb4: {  	vm1 =	vmor vm7, vm1;
	vm7 =	vlt.f32 v45, v62;
	vm4 =	vmand vm15, vm2  }
0xb5: {  	v17 =	vadd.s32 v44, v17;
	vm1 =	vmand vm8, vm1;
	vm8 =	vlt.s32 v52, $0x1000000  }
0xb6: {  	v52 =	vld [tilespmem:$0x2D0];
	v58 =	vsel vm4, $0x1, v0;
	v46 =	vsel vm1, $0x1, v0;
	vm1 =	vmand vm13, vm11  }
0xb7: {  	v57 =	vld [tilespmem:$0x2F0];
	vm11 =	vmor vm10, vm3;
	v49 =	vsel vm1, $0x1, v0;
	vm1 =	vmand vm0, vm6  }
0xb8: {  	vm13 =	vlt.s32 v11, $0x1000000;
	v48 =	vadd.s32 v46, v17;
	vm1 =	vmor vm7, vm1  }
0xb9: {  	v13 =	vadd.s32 v49, v48;
	vm7 =	vlt.s32 v9, $0x1000000;
	vm1 =	vmand vm8, vm1  }
0xba: {  	v13 =	vadd.s32 v51, v13;
	vm8 =	veq.f32 v54, v62;
	v53 =	vsel vm1, $0x1, v0  }
0xbb: {  	vm1 =	vmand vm13, vm11;
	vm5 =	veq.f32 v52, v62;
	vm6 =	vlt.f32 v52, v62  }
0xbc: {  	vm3 =	vmand vm0, vm8;
	vm11 =	veq.f32 v57, v62;
	vm13 =	vlt.f32 v57, v62  }
0xbd: {  	v55 =	vadd.s32 v53, v13;
	v56 =	vsel vm1, $0x1, v0;
	vm1 =	vmand vm0, vm5  }
0xbe: {  	vm10 =	vmor vm9, vm3;
	vm0 =	vmand vm0, vm11;
	vm1 =	vmor vm6, vm1  }
0xbf: {  	v10 =	vadd.s32 v56, v55;
	vm0 =	vmor vm13, vm0;
	vm1 =	vmand vm7, vm1  }
0xc0: {  	v10 =	vadd.s32 v58, v10;
	v59 =	vsel vm1, $0x1, v0;
	vm1 =	vmand vm12, vm10  }
0xc1: {  	vm0 =	vmand vm14, vm0;
	v60 =	vadd.s32 v59, v10;
	v61 =	vsel vm1, $0x1, v0  }
0xc2: {  	v62 =	vsel vm0, $0x1, v0;
	v7 =	vadd.s32 v61, v60  }
0xc3: {  	v7 =	vadd.s32 v62, v7  }
0xc4: {  	v8 =	vperm.xlane v7, v2;
	_ =	sdelay $0x1  }
0xc5: {  	v7 =	vadd.s32 v8, v7  }
0xc6: {  	v8 =	vperm.xlane v7, v3;
	_ =	sdelay $0x1  }
0xc7: {  	v7 =	vadd.s32 v8, v7  }
0xc8: {  	v8 =	vperm.xlane v7, v4;
	_ =	sdelay $0x1  }
0xc9: {  	v7 =	vadd.s32 v8, v7  }
0xca: {  	v8 =	vperm.xlane v7, v5;
	_ =	sdelay $0x1  }
0xcb: {  	v7 =	vadd.s32 v8, v7  }
0xcc: {  	v7 =	vshll.u32 v7, $0x8  }
0xcd: {  	v6 =	vadd.s32 v6, v7  }
0xce: {  	vm15 =	vlt.s32 v6, $0xFFFF00  }
0xcf: {  	v7 =	vnsel vm15, $0xFFFF00, v6  }
0xd0: {  	(v2sf) =	vpush v7, $0x0;
	_ =	sdelay $0xe  }
0xd1: {  	s28 =	spop (v2sf)  }
0xd2: {  	s13 =	sshrl.u32 s28, $0x3  }
0xd3: {  	s29 =	sadd.s32 s4, s13  }
0xd4: {  	[tilespmem:s7], [sflag:$0x1] =	stream.linear.gather [hbm4b:s29+s2], $0x80, $0x38;
	[tilespmem:$0x400] =	vst v63  }
0xd5: {  	s4 =	sadd.s32 $0x10, s29  }
0xd6: {  	[tilespmem:s26], [sflag:$0x2] =	stream.linear.gather [hbm4b:s4+s2], $0x80, $0x38;
	[tilespmem:$0x400] =	vst v63  }
0xd7: {  	_ =	swait.ge [sflag:s8], $0x80  }
0xd8: {  	[sflag:s8] =	ssyncset.done $0x0  }
0xd9: {  	[sflag:s8] =	ssyncadd.s32 $0xFFFFFF80  }
0xda: {  	[tilespmem:s11], [sflag:$0x3] =	stream.indirect.gather [hbm4b:s3+s25], $0x1, s7, s25, $0xb8;
	[tilespmem:$0x400] =	vst v63  }
0xdb: {  	_ =	swait.ge [sflag:s10], $0x80  }
0xdc: {  	[sflag:s10] =	ssyncset.done $0x0  }
0xdd: {  	[sflag:s10] =	ssyncadd.s32 $0xFFFFFF80  }
0xde: {  	[tilespmem:s12], [sflag:$0x3] =	stream.indirect.gather [hbm4b:s3+s25], $0x1, s26, s25, $0xb8;
	[tilespmem:$0x400] =	vst v63  }
0xdf: {  	_ =	swait.ge [sflag:s9], $0x80  }
0xe0: {  	[sflag:s9] =	ssyncset.done $0x0  }
0xe1: {  	[sflag:s9] =	ssyncadd.s32 $0xFFFFFF80  }
0xe2: {  	v1 =	vmul.u32 $0xFFFFFFFF, v1;
	_ =	swait.ge [sflag:s9], $0x80  }
0xe3: {  	[sflag:s9] =	ssyncset.done $0x0  }
0xe4: {  	v19 =	vadd.s32 $0xFFFFF0, v1;
	[sflag:s9] =	ssyncadd.s32 $0xFFFFFF80  }
0xe5: {  	v25 =	vadd.s32 $0xFFFFD0, v1;
	v30 =	vadd.s32 $0xFFFFC0, v1;
	v63 =	vld [tilespmem:$0x300]  }
0xe6: {  	v23 =	vadd.s32 $0xFFFFE0, v1;
	v32 =	vadd.s32 $0xFFFFB0, v1;
	v14 =	vld [tilespmem:$0x310]  }
0xe7: {  	v36 =	vadd.s32 $0xFFFFA0, v1;
	v38 =	vadd.s32 $0xFFFF90, v1;
	v15 =	vld [tilespmem:$0x200]  }
0xe8: {  	v42 =	vadd.s32 $0xFFFF80, v1;
	v44 =	vadd.s32 $0xFFFF70, v1;
	v16 =	vld [tilespmem:$0x210]  }
0xe9: {  	v49 =	vadd.s32 $0xFFFF60, v1;
	v51 =	vadd.s32 $0xFFFF50, v1;
	v17 =	vld [tilespmem:$0x220]  }
0xea: {  	v18 =	vadd.s32 $0x1000000, v1;
	v55 =	vadd.s32 $0xFFFF40, v1;
	v56 =	vadd.s32 $0xFFFF30, v1;
	v20 =	vld [tilespmem:$0x230]  }
0xeb: {  	v60 =	vadd.s32 $0xFFFF20, v1;
	v1 =	vadd.s32 $0xFFFF10, v1;
	vm10 =	vlt.s32 v6, v18  }
0xec: {  	vm11 =	vlt.s32 v6, v19;
	vm14 =	vlt.s32 v6, v23;
	v26 =	vld [tilespmem:$0x250];
	vm4 =	vlt.f32 v14, $0.0e+00  }
0xed: {  	vm5 =	vgt.f32 v14, $0.0e+00;
	vm6 =	veq.f32 v15, v63;
	vm7 =	vlt.f32 v15, v63  }
0xee: {  	v33 =	vld [tilespmem:$0x270];
	vm8 =	veq.f32 v16, v63;
	vm9 =	vlt.f32 v16, v63;
	vm12 =	veq.f32 v17, v63  }
0xef: {  	vm13 =	vlt.f32 v17, v63;
	vm15 =	veq.f32 v20, v63;
	vm0 =	vmor vm5, vm4  }
0xf0: {  	vm1 =	vmand vm0, vm6;
	vm2 =	vmand vm0, vm8;
	vm8 =	vlt.f32 v20, v63  }
0xf1: {  	v24 =	vld [tilespmem:$0x240];
	vm3 =	vmand vm0, vm15;
	vm15 =	veq.f32 v26, v63;
	vm1 =	vmor vm7, vm1  }
0xf2: {  	v39 =	vld [tilespmem:$0x290];
	vm2 =	vmor vm9, vm2;
	vm9 =	vmor vm8, vm3;
	vm8 =	vlt.f32 v26, v63  }
0xf3: {  	vm3 =	vmand vm0, vm15;
	vm15 =	veq.f32 v33, v63;
	vm1 =	vmand vm10, vm1  }
0xf4: {  	vm2 =	vmand vm11, vm2;
	vm10 =	vlt.s32 v6, v25;
	v21 =	vsel vm1, $0x1, v0  }
0xf5: {  	v22 =	vsel vm2, $0x1, v0;
	vm1 =	vmand vm0, vm12;
	vm11 =	vmand vm10, vm9  }
0xf6: {  	v45 =	vld [tilespmem:$0x2B0];
	vm12 =	veq.f32 v24, v63;
	vm9 =	vmor vm8, vm3;
	vm10 =	vlt.s32 v6, v32  }
0xf7: {  	vm8 =	vlt.f32 v33, v63;
	vm3 =	vmand vm0, vm15;
	vm15 =	veq.f32 v39, v63  }
0xf8: {  	vm1 =	vmor vm13, vm1;
	v27 =	vadd.s32 v21, v22;
	v29 =	vsel vm11, $0x1, v0  }
0xf9: {  	v50 =	vld [tilespmem:$0x2D0];
	vm13 =	vlt.f32 v24, v63;
	vm11 =	vmand vm10, vm9;
	vm9 =	vmor vm8, vm3  }
0xfa: {  	v31 =	vld [tilespmem:$0x260];
	vm10 =	vlt.s32 v6, v38;
	vm8 =	vlt.f32 v39, v63;
	vm3 =	vmand vm0, vm15  }
0xfb: {  	vm15 =	veq.f32 v45, v63;
	vm1 =	vmand vm14, vm1;
	vm14 =	vlt.s32 v6, v30  }
0xfc: {  	v35 =	vsel vm11, $0x1, v0;
	vm11 =	vmand vm10, vm9;
	vm9 =	vmor vm8, vm3  }
0xfd: {  	vm10 =	vlt.s32 v6, v44;
	vm8 =	vlt.f32 v45, v63;
	vm3 =	vmand vm0, vm15  }
0xfe: {  	v54 =	vld [tilespmem:$0x2E0];
	vm15 =	vlt.f32 v50, v63;
	v28 =	vsel vm1, $0x1, v0;
	vm1 =	vmand vm0, vm12  }
0xff: {  	vm12 =	veq.f32 v31, v63;
	v41 =	vsel vm11, $0x1, v0;
	vm11 =	vmand vm10, vm9  }
0x100: {  	v37 =	vld [tilespmem:$0x280];
	vm9 =	vmor vm8, vm3;
	vm10 =	vlt.s32 v6, v51;
	vm8 =	vlt.s32 v6, v55  }
0x101: {  	v8 =	vadd.s32 v28, v27;
	vm1 =	vmor vm13, vm1;
	vm13 =	vlt.f32 v31, v63  }
0x102: {  	v47 =	vsel vm11, $0x1, v0;
	vm11 =	vmand vm10, vm9;
	vm9 =	vlt.s32 v6, v56  }
0x103: {  	v43 =	vld [tilespmem:$0x2A0];
	vm10 =	veq.f32 v54, v63;
	vm1 =	vmand vm14, vm1;
	v8 =	vadd.s32 v29, v8  }
0x104: {  	vm14 =	vlt.s32 v6, v36;
	v53 =	vsel vm11, $0x1, v0;
	vm11 =	vlt.f32 v54, v63  }
0x105: {  	v34 =	vsel vm1, $0x1, v0;
	vm1 =	vmand vm0, vm12;
	vm12 =	veq.f32 v37, v63  }
0x106: {  	v48 =	vld [tilespmem:$0x2C0];
	v8 =	vadd.s32 v34, v8;
	vm1 =	vmor vm13, vm1;
	vm13 =	vlt.f32 v37, v63  }
0x107: {  	vm1 =	vmand vm14, vm1;
	v8 =	vadd.s32 v35, v8;
	vm14 =	vlt.s32 v6, v42  }
0x108: {  	v40 =	vsel vm1, $0x1, v0;
	vm1 =	vmand vm0, vm12;
	vm12 =	veq.f32 v43, v63  }
0x109: {  	v8 =	vadd.s32 v40, v8;
	vm1 =	vmor vm13, vm1;
	vm13 =	vlt.f32 v43, v63  }
0x10a: {  	v57 =	vld [tilespmem:$0x2F0];
	vm1 =	vmand vm14, vm1;
	v8 =	vadd.s32 v41, v8;
	vm14 =	vlt.s32 v6, v49  }
0x10b: {  	v46 =	vsel vm1, $0x1, v0;
	vm1 =	vmand vm0, vm12;
	vm12 =	veq.f32 v48, v63  }
0x10c: {  	v8 =	vadd.s32 v46, v8;
	vm1 =	vmor vm13, vm1;
	vm13 =	vlt.f32 v48, v63  }
0x10d: {  	vm2 =	vmand vm0, vm12;
	vm12 =	vlt.s32 v6, v60;
	vm1 =	vmand vm14, vm1  }
0x10e: {  	vm14 =	veq.f32 v50, v63;
	v8 =	vadd.s32 v47, v8;
	v52 =	vsel vm1, $0x1, v0  }
0x10f: {  	vm1 =	vmor vm13, vm2;
	vm2 =	vmand vm0, vm14;
	vm13 =	veq.f32 v57, v63  }
0x110: {  	vm14 =	vlt.f32 v57, v63;
	vm2 =	vmor vm15, vm2;
	vm1 =	vmand vm8, vm1  }
0x111: {  	v8 =	vadd.s32 v52, v8;
	vm15 =	vlt.s32 v6, v1;
	vm2 =	vmand vm9, vm2  }
0x112: {  	v58 =	vsel vm1, $0x1, v0;
	vm1 =	vmand vm0, vm10;
	v8 =	vadd.s32 v53, v8  }
0x113: {  	vm0 =	vmand vm0, vm13;
	v59 =	vsel vm2, $0x1, v0;
	vm1 =	vmor vm11, vm1  }
0x114: {  	v61 =	vadd.s32 v58, v8;
	vm0 =	vmor vm14, vm0;
	vm1 =	vmand vm12, vm1  }
0x115: {  	v62 =	vadd.s32 v59, v61;
	vm0 =	vmand vm15, vm0;
	v63 =	vsel vm1, $0x1, v0  }
0x116: {  	v0 =	vsel vm0, $0x1, v0;
	v1 =	vadd.s32 v63, v62  }
0x117: {  	v0 =	vadd.s32 v0, v1  }
0x118: {  	v1 =	vperm.xlane v0, v2;
	_ =	sdelay $0x1  }
0x119: {  	v0 =	vadd.s32 v1, v0  }
0x11a: {  	v1 =	vperm.xlane v0, v3;
	_ =	sdelay $0x1  }
0x11b: {  	v0 =	vadd.s32 v1, v0  }
0x11c: {  	v1 =	vperm.xlane v0, v4;
	_ =	sdelay $0x1  }
0x11d: {  	v0 =	vadd.s32 v1, v0  }
0x11e: {  	v1 =	vperm.xlane v0, v5;
	_ =	sdelay $0x1  }
0x11f: {  	v1 =	vadd.s32 v6, v1  }
0x120: {  	v0 =	vadd.s32 v0, v1  }
0x121: {  	s30 =	simm.s32 $0x380;
	s31 =	simm.s32 $0x5;
	[tilespmem:$0x380] =	vst v0  }
0x122: {  	[hbm4b:s1+s2] =	stream.linear.scatter [tilespmem:s30], [sflag:$0x5], $0x80, $0x38;
	[tilespmem:$0x400] =	vst v63  }
0x123: {  	_ =	swait.ge [sflag:s31], $0x80  }
0x124: {  	[sflag:s31] =	ssyncset.done $0x0  }
0x125: {  	[sflag:s31] =	ssyncadd.s32 $0xFFFFFF80  }
0x126: {  	_ =	sfence.sel $0x180000  }
0x127: {  	[bflag:$0x0] =	sbarrier.arrive $0xFFFF  }
0x128: {  	_ =	strace $0x90000047  }
0x129: {  	s0 =	sadd.s32 $0x100000, s0;
	[bflag:$0x2] =	sbarrier.arrive $0xFFFF  }
0x12a: {  	[sflag:s0] =	ssyncadd.tile.s32 $0x1;
	_ =	shalt  }
.Lfunc_end2:
_tile_overlayer_lowered:
.L_overlay_start_2:
0x12b: {  	(tag) =	ssettag $0x2  }
0x12c: {  	s0 =	rddreg [dreg:$0x0];
	s2 =	stileid.u32  }
0x12d: {  	s1 =	rddreg [dreg:$0x1];
	p0 =	sne.s32 s2, $0x0  }
0x12e: {  	s3 =	rddreg [dreg:$0x2];
	[bflag:$0x3] =	sbarrier.arrive $0xFFFF;
	s2 =	simm.s32 @!p0 $0x1C05  }
0x12f: {  	[timem:s3], [sflag:s2] =	dma.local @!p0 [hbm:s0], s1  }
0x130: {  	s0 =	simm.s32 @!p0 $0x5  }
0x131: {  	_ =	swait.ge @!p0 [sflag:s0], s1  }
0x132: {  	s1 =	ssub.s32 @!p0 $0x0, s1;
	[sflag:s0] =	ssyncset.done @!p0 $0x0  }
0x133: {  	[sflag:s0] =	ssyncadd.s32 @!p0 s1  }
0x134: {  	[bflag:$0x3] =	sbarrier.arrive $0xFFFF  }
0x135: {  	_ =	shalt  }

</sc_bundles>
